<compile_context>
chip_gen: v7x
topology: tpu7x:2x2x1
jax: 0.10.2.dev20260603
libtpu: 0.0.44.dev20260713+nightly
codegen_flags: <defaults>
</compile_context>

<pallas_src>
import functools

import jax
import jax.numpy as jnp
from jax import lax
from jax.experimental import pallas as pl
from jax.experimental.pallas import tpu as pltpu
from jax.experimental.pallas import tpu_sc as plsc

PAD = 0

NC = 2
NS = 16
NW = NC * NS

GRB = 2


@functools.lru_cache(maxsize=None)
def _make_gather(b: int, l: int, vocab: int, d: int):
    per_w_b = b // NW
    n_group = per_w_b // GRB
    n_ch = (l + 15) // 16
    lpad = n_ch * 16
    tail = l - (n_ch - 1) * 16
    mesh = plsc.VectorSubcoreMesh(core_axis_name="c", subcore_axis_name="s")

    @functools.partial(
        pl.kernel,
        mesh=mesh,
        compiler_params=pltpu.CompilerParams(use_tc_tiling_on_sc=False),
        out_type=jax.ShapeDtypeStruct((b * l, 2 * d), jnp.float32),
        scratch_types=[
            pltpu.VMEM((per_w_b, l), jnp.int32),
            pltpu.VMEM((2, GRB * lpad, d), jnp.float32),
            pltpu.SemaphoreType.DMA,
            pltpu.SemaphoreType.DMA,
            pltpu.SemaphoreType.DMA,
        ],
    )
    def gather_kernel(tok_hbm, table_hbm, out_hbm, idx_v, rows_v, g0sem, g1sem, osem):
        wid = lax.axis_index("s") * NC + lax.axis_index("c")
        base_b = wid * per_w_b
        gsems = (g0sem, g1sem)
        pltpu.sync_copy(tok_hbm.at[pl.ds(base_b, per_w_b)], idx_v)

        def fire_gathers(g, buf):
            def fire(u, c):
                rb = u // n_ch
                ch = u % n_ch
                off = jnp.minimum(ch * 16, l - 16)
                idx_vec = idx_v[g * GRB + rb, pl.ds(off, 16)]
                pltpu.async_copy(
                    table_hbm.at[idx_vec],
                    rows_v.at[buf, pl.ds(rb * lpad + ch * 16, 16)],
                    gsems[buf],
                )
                return c

            lax.fori_loop(0, GRB * n_ch, fire, 0)

        def wait_gathers(buf):
            pltpu.make_async_copy(
                table_hbm.at[pl.ds(0, GRB * lpad)], rows_v.at[buf], gsems[buf]
            ).wait()

        def out_pairs(g, buf):
            pairs = []
            head = (n_ch - 1) * 16
            for rb in range(GRB):
                tok0 = (base_b + g * GRB + rb) * l
                pairs.append((
                    rows_v.at[buf, pl.ds(rb * lpad, head)],
                    out_hbm.at[pl.ds(tok0, head), pl.ds(0, d)],
                ))
                pairs.append((
                    rows_v.at[buf, pl.ds(rb * lpad + head + (16 - tail), tail)],
                    out_hbm.at[pl.ds(tok0 + head, tail), pl.ds(0, d)],
                ))
            return pairs

        def fire_out(g, buf):
            for src, dst in out_pairs(g, buf):
                pltpu.async_copy(src, dst, osem)

        def wait_out(g, buf):
            for src, dst in out_pairs(g, buf):
                pltpu.make_async_copy(src, dst, osem).wait()

        fire_gathers(0, 0)
        fire_gathers(1, 1)

        def step(t, carry, last):
            for buf in (0, 1):
                g = 2 * t + buf
                wait_gathers(buf)
                fire_out(g, buf)
                wait_out(g, buf)
                if not last:
                    fire_gathers(g + 2, buf)
            return carry

        lax.fori_loop(0, n_group // 2 - 1, lambda t, c: step(t, c, False), 0)
        step(n_group // 2 - 1, 0, True)

    return gather_kernel


def kernel(tokens, table):
    b, l = tokens.shape
    vocab, d = table.shape
    padded = _make_gather(b, l, vocab, d)(tokens, table)
    features = padded[:, :d].reshape(b, l, d)
    padding_masks = (tokens == PAD)[:, None, None, :]
    sequential_masks = jnp.triu(jnp.ones((l, l), dtype=bool), k=1)
    return features, padding_masks, sequential_masks

# --- scband reference (transcript-rebuilt; emitter-appended) ---
"""Pipeline reference for scband-usual-embedding-12206297055339 (READ-ONLY COPY).

The authoritative reference and input builder live on the scoring server;
editing this copy changes nothing except your own understanding.
"""

import jax, jax.numpy as jnp
import numpy as np

VOCAB = 1000000
D_MODEL = 64
B = 4096
L = 200
PAD = 0


def setup_inputs(seed: int = 0) -> dict:
    key = jax.random.key(seed)
    k1, k2 = jax.random.split(key)
    tokens = jax.random.randint(k1, (B, L), 0, VOCAB, dtype=jnp.int32)
    table = jax.random.normal(k2, (VOCAB, D_MODEL), dtype=jnp.float32)
    # nn.Embedding zeroes the padding_idx row at init
    table = table.at[PAD].set(0.0)
    return {"tokens": tokens, "table": table}


def reference(tokens, table):
    # generate_padding_mask: True where token == padding_idx, broadcastable for attention
    padding_masks = (tokens == PAD)[:, None, None, :]  # bool [B, 1, 1, L]
    seq_len = tokens.shape[-1]
    # generate_sequential_mask: causal mask, True above diagonal (masked positions)
    sequential_masks = jnp.triu(jnp.ones((seq_len, seq_len), dtype=bool), k=1)  # bool [L, L]
    # WORD_EMBEDDING is None branch: plain embedding lookup (gather)
    features = jnp.take(table, tokens, axis=0)  # float32 [B, L, D_MODEL]
    return (features, padding_masks, sequential_masks)

if __name__ == "__main__":
    import jax
    _d = setup_inputs()
    print(jax.jit(kernel)(*tuple(_d.values())))

</pallas_src>

<mosaic_0001>
#map = affine_map<(d0, d1) -> (0, 0)>
module attributes {stable_mosaic.version = 14 : i64} {
  func.func @gather_kernel(%arg0: i32, %arg1: i32, %arg2: memref<4096x200xi32, #tpu.memory_space<hbm>>, %arg3: memref<1000000x64xf32, #tpu.memory_space<hbm>>, %arg4: memref<819200x128xf32, #tpu.memory_space<hbm>>, %arg5: memref<128x200xi32, #tpu.memory_space<vmem>>, %arg6: memref<2x416x64xf32, #tpu.memory_space<vmem>>, %arg7: memref<!tpu.dma_semaphore, #tpu.memory_space<semaphore_mem>>, %arg8: memref<!tpu.dma_semaphore, #tpu.memory_space<semaphore_mem>>, %arg9: memref<!tpu.dma_semaphore, #tpu.memory_space<semaphore_mem>>) attributes {dimension_semantics = [#tpu.dimension_semantics<core_parallel>, #tpu.dimension_semantics<subcore_parallel>], iteration_bounds = array<i64: 2, 16>, scalar_prefetch = 0 : i64, scratch_operands = 5 : i64, tpu.core_type = #tpu.core_type<sc_vector_subcore>, window_params = [{transform_indices = #map}, {transform_indices = #map}, {transform_indices = #map}]} {
    %mul3A = arith.constant 2 : i32
    %mul3A_0 = arith.muli %arg1, %mul3A : i32
    %add3A = arith.addi %mul3A_0, %arg0 : i32
    %mul3A_1 = arith.constant 128 : i32
    %mul3A_2 = arith.muli %add3A, %mul3A_1 : i32
    "tpu.region"() ({
      %run_scoped3A = tpu.sem_alloc : memref<!tpu.dma_semaphore, #tpu.memory_space<semaphore_mem>>
      %dma_start3A_320 = arith.constant 0 : i32
      %dma_start3A_321 = tpu.memref_slice %arg2[%mul3A_2, %dma_start3A_320] : memref<4096x200xi32, #tpu.memory_space<hbm>> -> memref<128x200xi32, #tpu.memory_space<hbm>>
      %dma_start3A_322 = arith.constant 0 : i32
      %dma_start3A_323 = tpu.memref_slice %arg2[%mul3A_2, %dma_start3A_322] : memref<4096x200xi32, #tpu.memory_space<hbm>> -> memref<128x200xi32, #tpu.memory_space<hbm>>
      tpu.enqueue_dma source(%dma_start3A_323 : memref<128x200xi32, #tpu.memory_space<hbm>>) target(%arg5 : memref<128x200xi32, #tpu.memory_space<vmem>>) target_semaphore(%run_scoped3A : memref<!tpu.dma_semaphore, #tpu.memory_space<semaphore_mem>>)
      %dma_wait3A_324 = arith.constant 0 : i32
      %dma_wait3A_325 = tpu.memref_slice %arg2[%mul3A_2, %dma_wait3A_324] : memref<4096x200xi32, #tpu.memory_space<hbm>> -> memref<128x200xi32, #tpu.memory_space<hbm>>
      %dma_wait3A_326 = arith.constant 0 : i32
      %dma_wait3A_327 = tpu.memref_slice %arg2[%mul3A_2, %dma_wait3A_326] : memref<4096x200xi32, #tpu.memory_space<hbm>> -> memref<128x200xi32, #tpu.memory_space<hbm>>
      tpu.wait_dma2 semaphore(%run_scoped3A : memref<!tpu.dma_semaphore, #tpu.memory_space<semaphore_mem>>) src(%dma_wait3A_327 : memref<128x200xi32, #tpu.memory_space<hbm>>) dst(%arg5 : memref<128x200xi32, #tpu.memory_space<vmem>>)
      tpu.yield
    }) : () -> ()
    %scan3A = arith.constant 0 : i32
    %scan3A_3 = arith.constant 0 : i32
    %scan3A_4 = arith.constant 26 : i32
    %scan3A_5 = arith.addi %scan3A_3, %scan3A_4 : i32
    %scan3A_6 = arith.constant 1 : i32
    scf.for %scan3A_320 = %scan3A_3 to %scan3A_5 step %scan3A_6  : i32 {
      %jit3A = arith.constant 13 : i32
      %div3A = arith.divsi %scan3A_320, %jit3A : i32
      %sign3A = arith.constant 0 : i32
      %sign3A_321 = arith.cmpi sgt, %scan3A_320, %sign3A : i32
      %sign3A_322 = arith.extui %sign3A_321 : i1 to i32
      %sign3A_323 = arith.constant 0 : i32
      %sign3A_324 = arith.cmpi slt, %scan3A_320, %sign3A_323 : i32
      %sign3A_325 = arith.extui %sign3A_324 : i1 to i32
      %sign3A_326 = arith.subi %sign3A_322, %sign3A_325 : i32
      %sign3A_327 = arith.constant 0 : i32
      %sign3A_328 = arith.cmpi sgt, %jit3A, %sign3A_327 : i32
      %sign3A_329 = arith.extui %sign3A_328 : i1 to i32
      %sign3A_330 = arith.constant 0 : i32
      %sign3A_331 = arith.cmpi slt, %jit3A, %sign3A_330 : i32
      %sign3A_332 = arith.extui %sign3A_331 : i1 to i32
      %sign3A_333 = arith.subi %sign3A_329, %sign3A_332 : i32
      %ne3A = arith.cmpi ne, %sign3A_326, %sign3A_333 : i32
      %rem3A = arith.remsi %scan3A_320, %jit3A : i32
      %ne3A_334 = arith.constant 0 : i32
      %ne3A_335 = arith.cmpi ne, %rem3A, %ne3A_334 : i32
      %and3A = arith.andi %ne3A, %ne3A_335 : i1
      %sub3A = arith.constant 1 : i32
      %sub3A_336 = arith.subi %div3A, %sub3A : i32
      %select_n3A = arith.select %and3A, %sub3A_336, %div3A : i32
      %jit3A_337 = arith.constant 13 : i32
      %eq3A = arith.constant 0 : i32
      %eq3A_338 = arith.cmpi eq, %jit3A_337, %eq3A : i32
      %jit3A_339 = arith.constant 1 : i32
      %select_n3A_340 = arith.select %eq3A_338, %jit3A_339, %jit3A_337 : i32
      %rem3A_341 = arith.remsi %scan3A_320, %select_n3A_340 : i32
      %ne3A_342 = arith.constant 0 : i32
      %ne3A_343 = arith.cmpi ne, %rem3A_341, %ne3A_342 : i32
      %lt3A = arith.constant 0 : i32
      %lt3A_344 = arith.cmpi slt, %rem3A_341, %lt3A : i32
      %lt3A_345 = arith.constant 0 : i32
      %lt3A_346 = arith.cmpi slt, %select_n3A_340, %lt3A_345 : i32
      %ne3A_347 = arith.xori %lt3A_344, %lt3A_346 : i1
      %and3A_348 = arith.andi %ne3A_347, %ne3A_343 : i1
      %add3A_349 = arith.addi %rem3A_341, %select_n3A_340 : i32
      %select_n3A_350 = arith.select %and3A_348, %add3A_349, %rem3A_341 : i32
      %mul3A_351 = arith.constant 16 : i32
      %mul3A_352 = arith.muli %select_n3A_350, %mul3A_351 : i32
      %min3A = arith.constant 184 : i32
      %min3A_353 = arith.minsi %mul3A_352, %min3A : i32
      %add3A_354 = arith.constant 0 : i32
      %add3A_355 = arith.addi %add3A_354, %select_n3A : i32
      %get3A = arith.index_cast %add3A_355 : i32 to index
      %get3A_356 = arith.index_cast %min3A_353 : i32 to index
      %get3A_357 = tpu.vector_load %arg5[%get3A, %get3A_356] {strides = array<i32>} : memref<128x200xi32, #tpu.memory_space<vmem>>, vector<1x16xi32>,
      %get3A_358 = vector.shape_cast %get3A_357 : vector<1x16xi32> to vector<16xi32>
      %mul3A_359 = arith.constant 208 : i32
      %mul3A_360 = arith.muli %select_n3A, %mul3A_359 : i32
      %mul3A_361 = arith.constant 16 : i32
      %mul3A_362 = arith.muli %select_n3A_350, %mul3A_361 : i32
      %add3A_363 = arith.addi %mul3A_360, %mul3A_362 : i32
      %dma_start3A_364 = arith.constant 0 : i32
      %dma_start3A_365 = arith.constant 0 : i32
      %dma_start3A_366 = tpu.memref_slice %arg6[%dma_start3A_364, %add3A_363, %dma_start3A_365] : memref<2x416x64xf32, #tpu.memory_space<vmem>> -> memref<1x16x64xf32, #tpu.memory_space<vmem>>
      %dma_start3A_367 = tpu.memref_squeeze %dma_start3A_366 : memref<1x16x64xf32, #tpu.memory_space<vmem>> -> memref<16x64xf32, #tpu.memory_space<vmem>>
      %dma_start3A_368 = arith.constant 0 : i32
      %dma_start3A_369 = arith.constant 0 : i32
      %dma_start3A_370 = tpu.memref_slice %arg3[%dma_start3A_368, %dma_start3A_369] : memref<1000000x64xf32, #tpu.memory_space<hbm>> -> memref<1000000x64xf32, #tpu.memory_space<hbm>>
      tpu.enqueue_indirect_dma source(%dma_start3A_370 : memref<1000000x64xf32, #tpu.memory_space<hbm>>) target(%dma_start3A_367 : memref<16x64xf32, #tpu.memory_space<vmem>>) offsets(%get3A_358 : vector<16xi32>) semaphore(%arg7 : memref<!tpu.dma_semaphore, #tpu.memory_space<semaphore_mem>>)
    }
    %scan3A_7 = arith.constant 26 : i32
    %scan3A_8 = arith.constant 0 : i32
    %scan3A_9 = arith.constant 0 : i32
    %scan3A_10 = arith.constant 26 : i32
    %scan3A_11 = arith.addi %scan3A_9, %scan3A_10 : i32
    %scan3A_12 = arith.constant 1 : i32
    scf.for %scan3A_320 = %scan3A_9 to %scan3A_11 step %scan3A_12  : i32 {
      %jit3A = arith.constant 13 : i32
      %div3A = arith.divsi %scan3A_320, %jit3A : i32
      %sign3A = arith.constant 0 : i32
      %sign3A_321 = arith.cmpi sgt, %scan3A_320, %sign3A : i32
      %sign3A_322 = arith.extui %sign3A_321 : i1 to i32
      %sign3A_323 = arith.constant 0 : i32
      %sign3A_324 = arith.cmpi slt, %scan3A_320, %sign3A_323 : i32
      %sign3A_325 = arith.extui %sign3A_324 : i1 to i32
      %sign3A_326 = arith.subi %sign3A_322, %sign3A_325 : i32
      %sign3A_327 = arith.constant 0 : i32
      %sign3A_328 = arith.cmpi sgt, %jit3A, %sign3A_327 : i32
      %sign3A_329 = arith.extui %sign3A_328 : i1 to i32
      %sign3A_330 = arith.constant 0 : i32
      %sign3A_331 = arith.cmpi slt, %jit3A, %sign3A_330 : i32
      %sign3A_332 = arith.extui %sign3A_331 : i1 to i32
      %sign3A_333 = arith.subi %sign3A_329, %sign3A_332 : i32
      %ne3A = arith.cmpi ne, %sign3A_326, %sign3A_333 : i32
      %rem3A = arith.remsi %scan3A_320, %jit3A : i32
      %ne3A_334 = arith.constant 0 : i32
      %ne3A_335 = arith.cmpi ne, %rem3A, %ne3A_334 : i32
      %and3A = arith.andi %ne3A, %ne3A_335 : i1
      %sub3A = arith.constant 1 : i32
      %sub3A_336 = arith.subi %div3A, %sub3A : i32
      %select_n3A = arith.select %and3A, %sub3A_336, %div3A : i32
      %jit3A_337 = arith.constant 13 : i32
      %eq3A = arith.constant 0 : i32
      %eq3A_338 = arith.cmpi eq, %jit3A_337, %eq3A : i32
      %jit3A_339 = arith.constant 1 : i32
      %select_n3A_340 = arith.select %eq3A_338, %jit3A_339, %jit3A_337 : i32
      %rem3A_341 = arith.remsi %scan3A_320, %select_n3A_340 : i32
      %ne3A_342 = arith.constant 0 : i32
      %ne3A_343 = arith.cmpi ne, %rem3A_341, %ne3A_342 : i32
      %lt3A = arith.constant 0 : i32
      %lt3A_344 = arith.cmpi slt, %rem3A_341, %lt3A : i32
      %lt3A_345 = arith.constant 0 : i32
      %lt3A_346 = arith.cmpi slt, %select_n3A_340, %lt3A_345 : i32
      %ne3A_347 = arith.xori %lt3A_344, %lt3A_346 : i1
      %and3A_348 = arith.andi %ne3A_347, %ne3A_343 : i1
      %add3A_349 = arith.addi %rem3A_341, %select_n3A_340 : i32
      %select_n3A_350 = arith.select %and3A_348, %add3A_349, %rem3A_341 : i32
      %mul3A_351 = arith.constant 16 : i32
      %mul3A_352 = arith.muli %select_n3A_350, %mul3A_351 : i32
      %min3A = arith.constant 184 : i32
      %min3A_353 = arith.minsi %mul3A_352, %min3A : i32
      %add3A_354 = arith.constant 2 : i32
      %add3A_355 = arith.addi %add3A_354, %select_n3A : i32
      %get3A = arith.index_cast %add3A_355 : i32 to index
      %get3A_356 = arith.index_cast %min3A_353 : i32 to index
      %get3A_357 = tpu.vector_load %arg5[%get3A, %get3A_356] {strides = array<i32>} : memref<128x200xi32, #tpu.memory_space<vmem>>, vector<1x16xi32>,
      %get3A_358 = vector.shape_cast %get3A_357 : vector<1x16xi32> to vector<16xi32>
      %mul3A_359 = arith.constant 208 : i32
      %mul3A_360 = arith.muli %select_n3A, %mul3A_359 : i32
      %mul3A_361 = arith.constant 16 : i32
      %mul3A_362 = arith.muli %select_n3A_350, %mul3A_361 : i32
      %add3A_363 = arith.addi %mul3A_360, %mul3A_362 : i32
      %dma_start3A_364 = arith.constant 1 : i32
      %dma_start3A_365 = arith.constant 0 : i32
      %dma_start3A_366 = tpu.memref_slice %arg6[%dma_start3A_364, %add3A_363, %dma_start3A_365] : memref<2x416x64xf32, #tpu.memory_space<vmem>> -> memref<1x16x64xf32, #tpu.memory_space<vmem>>
      %dma_start3A_367 = tpu.memref_squeeze %dma_start3A_366 : memref<1x16x64xf32, #tpu.memory_space<vmem>> -> memref<16x64xf32, #tpu.memory_space<vmem>>
      %dma_start3A_368 = arith.constant 0 : i32
      %dma_start3A_369 = arith.constant 0 : i32
      %dma_start3A_370 = tpu.memref_slice %arg3[%dma_start3A_368, %dma_start3A_369] : memref<1000000x64xf32, #tpu.memory_space<hbm>> -> memref<1000000x64xf32, #tpu.memory_space<hbm>>
      tpu.enqueue_indirect_dma source(%dma_start3A_370 : memref<1000000x64xf32, #tpu.memory_space<hbm>>) target(%dma_start3A_367 : memref<16x64xf32, #tpu.memory_space<vmem>>) offsets(%get3A_358 : vector<16xi32>) semaphore(%arg8 : memref<!tpu.dma_semaphore, #tpu.memory_space<semaphore_mem>>)
    }
    %scan3A_13 = arith.constant 26 : i32
    %scan3A_14 = arith.constant 0 : i32
    %scan3A_15 = arith.constant 0 : i32
    %scan3A_16 = arith.constant 31 : i32
    %scan3A_17 = arith.addi %scan3A_15, %scan3A_16 : i32
    %scan3A_18 = arith.constant 1 : i32
    scf.for %scan3A_320 = %scan3A_15 to %scan3A_17 step %scan3A_18  : i32 {
      %mul3A_321 = arith.constant 2 : i32
      %mul3A_322 = arith.muli %mul3A_321, %scan3A_320 : i32
      %add3A_323 = arith.constant 0 : i32
      %add3A_324 = arith.addi %mul3A_322, %add3A_323 : i32
      %dma_wait3A_325 = arith.constant 0 : i32
      %dma_wait3A_326 = arith.constant 0 : i32
      %dma_wait3A_327 = arith.constant 0 : i32
      %dma_wait3A_328 = tpu.memref_slice %arg6[%dma_wait3A_325, %dma_wait3A_326, %dma_wait3A_327] : memref<2x416x64xf32, #tpu.memory_space<vmem>> -> memref<1x416x64xf32, #tpu.memory_space<vmem>>
      %dma_wait3A_329 = tpu.memref_squeeze %dma_wait3A_328 : memref<1x416x64xf32, #tpu.memory_space<vmem>> -> memref<416x64xf32, #tpu.memory_space<vmem>>
      %dma_wait3A_330 = arith.constant 0 : i32
      %dma_wait3A_331 = arith.constant 0 : i32
      %dma_wait3A_332 = tpu.memref_slice %arg3[%dma_wait3A_330, %dma_wait3A_331] : memref<1000000x64xf32, #tpu.memory_space<hbm>> -> memref<416x64xf32, #tpu.memory_space<hbm>>
      %dma_wait3A_333 = arith.constant 0 : i32
      %dma_wait3A_334 = arith.constant 0 : i32
      %dma_wait3A_335 = tpu.memref_slice %arg6[%dma_wait3A_325, %dma_wait3A_333, %dma_wait3A_334] : memref<2x416x64xf32, #tpu.memory_space<vmem>> -> memref<1x416x64xf32, #tpu.memory_space<vmem>>
      %dma_wait3A_336 = tpu.memref_squeeze %dma_wait3A_335 : memref<1x416x64xf32, #tpu.memory_space<vmem>> -> memref<416x64xf32, #tpu.memory_space<vmem>>
      %dma_wait3A_337 = arith.constant 0 : i32
      %dma_wait3A_338 = arith.constant 0 : i32
      %dma_wait3A_339 = tpu.memref_slice %arg3[%dma_wait3A_337, %dma_wait3A_338] : memref<1000000x64xf32, #tpu.memory_space<hbm>> -> memref<416x64xf32, #tpu.memory_space<hbm>>
      tpu.wait_dma2 semaphore(%arg7 : memref<!tpu.dma_semaphore, #tpu.memory_space<semaphore_mem>>) src(%dma_wait3A_339 : memref<416x64xf32, #tpu.memory_space<hbm>>) dst(%dma_wait3A_336 : memref<416x64xf32, #tpu.memory_space<vmem>>)
      %mul3A_340 = arith.constant 2 : i32
      %mul3A_341 = arith.muli %add3A_324, %mul3A_340 : i32
      %add3A_342 = arith.addi %mul3A_2, %mul3A_341 : i32
      %add3A_343 = arith.constant 0 : i32
      %add3A_344 = arith.addi %add3A_342, %add3A_343 : i32
      %mul3A_345 = arith.constant 200 : i32
      %mul3A_346 = arith.muli %add3A_344, %mul3A_345 : i32
      %add3A_347 = arith.constant 192 : i32
      %add3A_348 = arith.addi %mul3A_346, %add3A_347 : i32
      %mul3A_349 = arith.constant 2 : i32
      %mul3A_350 = arith.muli %add3A_324, %mul3A_349 : i32
      %add3A_351 = arith.addi %mul3A_2, %mul3A_350 : i32
      %add3A_352 = arith.constant 1 : i32
      %add3A_353 = arith.addi %add3A_351, %add3A_352 : i32
      %mul3A_354 = arith.constant 200 : i32
      %mul3A_355 = arith.muli %add3A_353, %mul3A_354 : i32
      %add3A_356 = arith.constant 192 : i32
      %add3A_357 = arith.addi %mul3A_355, %add3A_356 : i32
      %dma_start3A_358 = arith.constant 0 : i32
      %dma_start3A_359 = arith.constant 0 : i32
      %dma_start3A_360 = arith.constant 0 : i32
      %dma_start3A_361 = tpu.memref_slice %arg6[%dma_start3A_358, %dma_start3A_359, %dma_start3A_360] : memref<2x416x64xf32, #tpu.memory_space<vmem>> -> memref<1x192x64xf32, #tpu.memory_space<vmem>>
      %dma_start3A_362 = tpu.memref_squeeze %dma_start3A_361 : memref<1x192x64xf32, #tpu.memory_space<vmem>> -> memref<192x64xf32, #tpu.memory_space<vmem>>
      %dma_start3A_363 = arith.constant 0 : i32
      %dma_start3A_364 = tpu.memref_slice %arg4[%mul3A_346, %dma_start3A_363] : memref<819200x128xf32, #tpu.memory_space<hbm>> -> memref<192x64xf32, #tpu.memory_space<hbm>>
      %dma_start3A_365 = arith.constant 0 : i32
      %dma_start3A_366 = tpu.memref_slice %arg4[%mul3A_346, %dma_start3A_365] : memref<819200x128xf32, #tpu.memory_space<hbm>> -> memref<192x64xf32, #tpu.memory_space<hbm>>
      %dma_start3A_367 = arith.constant 0 : i32
      %dma_start3A_368 = arith.constant 0 : i32
      %dma_start3A_369 = tpu.memref_slice %arg6[%dma_start3A_358, %dma_start3A_367, %dma_start3A_368] : memref<2x416x64xf32, #tpu.memory_space<vmem>> -> memref<1x192x64xf32, #tpu.memory_space<vmem>>
      %dma_start3A_370 = tpu.memref_squeeze %dma_start3A_369 : memref<1x192x64xf32, #tpu.memory_space<vmem>> -> memref<192x64xf32, #tpu.memory_space<vmem>>
      tpu.enqueue_dma source(%dma_start3A_370 : memref<192x64xf32, #tpu.memory_space<vmem>>) target(%dma_start3A_366 : memref<192x64xf32, #tpu.memory_space<hbm>>) target_semaphore(%arg9 : memref<!tpu.dma_semaphore, #tpu.memory_space<semaphore_mem>>)
      %dma_start3A_371 = arith.constant 0 : i32
      %dma_start3A_372 = arith.constant 200 : i32
      %dma_start3A_373 = arith.constant 0 : i32
      %dma_start3A_374 = tpu.memref_slice %arg6[%dma_start3A_371, %dma_start3A_372, %dma_start3A_373] : memref<2x416x64xf32, #tpu.memory_space<vmem>> -> memref<1x8x64xf32, #tpu.memory_space<vmem>>
      %dma_start3A_375 = tpu.memref_squeeze %dma_start3A_374 : memref<1x8x64xf32, #tpu.memory_space<vmem>> -> memref<8x64xf32, #tpu.memory_space<vmem>>
      %dma_start3A_376 = arith.constant 0 : i32
      %dma_start3A_377 = tpu.memref_slice %arg4[%add3A_348, %dma_start3A_376] : memref<819200x128xf32, #tpu.memory_space<hbm>> -> memref<8x64xf32, #tpu.memory_space<hbm>>
      %dma_start3A_378 = arith.constant 0 : i32
      %dma_start3A_379 = tpu.memref_slice %arg4[%add3A_348, %dma_start3A_378] : memref<819200x128xf32, #tpu.memory_space<hbm>> -> memref<8x64xf32, #tpu.memory_space<hbm>>
      %dma_start3A_380 = arith.constant 200 : i32
      %dma_start3A_381 = arith.constant 0 : i32
      %dma_start3A_382 = tpu.memref_slice %arg6[%dma_start3A_371, %dma_start3A_380, %dma_start3A_381] : memref<2x416x64xf32, #tpu.memory_space<vmem>> -> memref<1x8x64xf32, #tpu.memory_space<vmem>>
      %dma_start3A_383 = tpu.memref_squeeze %dma_start3A_382 : memref<1x8x64xf32, #tpu.memory_space<vmem>> -> memref<8x64xf32, #tpu.memory_space<vmem>>
      tpu.enqueue_dma source(%dma_start3A_383 : memref<8x64xf32, #tpu.memory_space<vmem>>) target(%dma_start3A_379 : memref<8x64xf32, #tpu.memory_space<hbm>>) target_semaphore(%arg9 : memref<!tpu.dma_semaphore, #tpu.memory_space<semaphore_mem>>)
      %dma_start3A_384 = arith.constant 0 : i32
      %dma_start3A_385 = arith.constant 208 : i32
      %dma_start3A_386 = arith.constant 0 : i32
      %dma_start3A_387 = tpu.memref_slice %arg6[%dma_start3A_384, %dma_start3A_385, %dma_start3A_386] : memref<2x416x64xf32, #tpu.memory_space<vmem>> -> memref<1x192x64xf32, #tpu.memory_space<vmem>>
      %dma_start3A_388 = tpu.memref_squeeze %dma_start3A_387 : memref<1x192x64xf32, #tpu.memory_space<vmem>> -> memref<192x64xf32, #tpu.memory_space<vmem>>
      %dma_start3A_389 = arith.constant 0 : i32
      %dma_start3A_390 = tpu.memref_slice %arg4[%mul3A_355, %dma_start3A_389] : memref<819200x128xf32, #tpu.memory_space<hbm>> -> memref<192x64xf32, #tpu.memory_space<hbm>>
      %dma_start3A_391 = arith.constant 0 : i32
      %dma_start3A_392 = tpu.memref_slice %arg4[%mul3A_355, %dma_start3A_391] : memref<819200x128xf32, #tpu.memory_space<hbm>> -> memref<192x64xf32, #tpu.memory_space<hbm>>
      %dma_start3A_393 = arith.constant 208 : i32
      %dma_start3A_394 = arith.constant 0 : i32
      %dma_start3A_395 = tpu.memref_slice %arg6[%dma_start3A_384, %dma_start3A_393, %dma_start3A_394] : memref<2x416x64xf32, #tpu.memory_space<vmem>> -> memref<1x192x64xf32, #tpu.memory_space<vmem>>
      %dma_start3A_396 = tpu.memref_squeeze %dma_start3A_395 : memref<1x192x64xf32, #tpu.memory_space<vmem>> -> memref<192x64xf32, #tpu.memory_space<vmem>>
      tpu.enqueue_dma source(%dma_start3A_396 : memref<192x64xf32, #tpu.memory_space<vmem>>) target(%dma_start3A_392 : memref<192x64xf32, #tpu.memory_space<hbm>>) target_semaphore(%arg9 : memref<!tpu.dma_semaphore, #tpu.memory_space<semaphore_mem>>)
      %dma_start3A_397 = arith.constant 0 : i32
      %dma_start3A_398 = arith.constant 408 : i32
      %dma_start3A_399 = arith.constant 0 : i32
      %dma_start3A_400 = tpu.memref_slice %arg6[%dma_start3A_397, %dma_start3A_398, %dma_start3A_399] : memref<2x416x64xf32, #tpu.memory_space<vmem>> -> memref<1x8x64xf32, #tpu.memory_space<vmem>>
      %dma_start3A_401 = tpu.memref_squeeze %dma_start3A_400 : memref<1x8x64xf32, #tpu.memory_space<vmem>> -> memref<8x64xf32, #tpu.memory_space<vmem>>
      %dma_start3A_402 = arith.constant 0 : i32
      %dma_start3A_403 = tpu.memref_slice %arg4[%add3A_357, %dma_start3A_402] : memref<819200x128xf32, #tpu.memory_space<hbm>> -> memref<8x64xf32, #tpu.memory_space<hbm>>
      %dma_start3A_404 = arith.constant 0 : i32
      %dma_start3A_405 = tpu.memref_slice %arg4[%add3A_357, %dma_start3A_404] : memref<819200x128xf32, #tpu.memory_space<hbm>> -> memref<8x64xf32, #tpu.memory_space<hbm>>
      %dma_start3A_406 = arith.constant 408 : i32
      %dma_start3A_407 = arith.constant 0 : i32
      %dma_start3A_408 = tpu.memref_slice %arg6[%dma_start3A_397, %dma_start3A_406, %dma_start3A_407] : memref<2x416x64xf32, #tpu.memory_space<vmem>> -> memref<1x8x64xf32, #tpu.memory_space<vmem>>
      %dma_start3A_409 = tpu.memref_squeeze %dma_start3A_408 : memref<1x8x64xf32, #tpu.memory_space<vmem>> -> memref<8x64xf32, #tpu.memory_space<vmem>>
      tpu.enqueue_dma source(%dma_start3A_409 : memref<8x64xf32, #tpu.memory_space<vmem>>) target(%dma_start3A_405 : memref<8x64xf32, #tpu.memory_space<hbm>>) target_semaphore(%arg9 : memref<!tpu.dma_semaphore, #tpu.memory_space<semaphore_mem>>)
      %mul3A_410 = arith.constant 2 : i32
      %mul3A_411 = arith.muli %add3A_324, %mul3A_410 : i32
      %add3A_412 = arith.addi %mul3A_2, %mul3A_411 : i32
      %add3A_413 = arith.constant 0 : i32
      %add3A_414 = arith.addi %add3A_412, %add3A_413 : i32
      %mul3A_415 = arith.constant 200 : i32
      %mul3A_416 = arith.muli %add3A_414, %mul3A_415 : i32
      %add3A_417 = arith.constant 192 : i32
      %add3A_418 = arith.addi %mul3A_416, %add3A_417 : i32
      %mul3A_419 = arith.constant 2 : i32
      %mul3A_420 = arith.muli %add3A_324, %mul3A_419 : i32
      %add3A_421 = arith.addi %mul3A_2, %mul3A_420 : i32
      %add3A_422 = arith.constant 1 : i32
      %add3A_423 = arith.addi %add3A_421, %add3A_422 : i32
      %mul3A_424 = arith.constant 200 : i32
      %mul3A_425 = arith.muli %add3A_423, %mul3A_424 : i32
      %add3A_426 = arith.constant 192 : i32
      %add3A_427 = arith.addi %mul3A_425, %add3A_426 : i32
      %dma_wait3A_428 = arith.constant 0 : i32
      %dma_wait3A_429 = arith.constant 0 : i32
      %dma_wait3A_430 = arith.constant 0 : i32
      %dma_wait3A_431 = tpu.memref_slice %arg6[%dma_wait3A_428, %dma_wait3A_429, %dma_wait3A_430] : memref<2x416x64xf32, #tpu.memory_space<vmem>> -> memref<1x192x64xf32, #tpu.memory_space<vmem>>
      %dma_wait3A_432 = tpu.memref_squeeze %dma_wait3A_431 : memref<1x192x64xf32, #tpu.memory_space<vmem>> -> memref<192x64xf32, #tpu.memory_space<vmem>>
      %dma_wait3A_433 = arith.constant 0 : i32
      %dma_wait3A_434 = tpu.memref_slice %arg4[%mul3A_416, %dma_wait3A_433] : memref<819200x128xf32, #tpu.memory_space<hbm>> -> memref<192x64xf32, #tpu.memory_space<hbm>>
      %dma_wait3A_435 = arith.constant 0 : i32
      %dma_wait3A_436 = tpu.memref_slice %arg4[%mul3A_416, %dma_wait3A_435] : memref<819200x128xf32, #tpu.memory_space<hbm>> -> memref<192x64xf32, #tpu.memory_space<hbm>>
      %dma_wait3A_437 = arith.constant 0 : i32
      %dma_wait3A_438 = arith.constant 0 : i32
      %dma_wait3A_439 = tpu.memref_slice %arg6[%dma_wait3A_428, %dma_wait3A_437, %dma_wait3A_438] : memref<2x416x64xf32, #tpu.memory_space<vmem>> -> memref<1x192x64xf32, #tpu.memory_space<vmem>>
      %dma_wait3A_440 = tpu.memref_squeeze %dma_wait3A_439 : memref<1x192x64xf32, #tpu.memory_space<vmem>> -> memref<192x64xf32, #tpu.memory_space<vmem>>
      tpu.wait_dma2 semaphore(%arg9 : memref<!tpu.dma_semaphore, #tpu.memory_space<semaphore_mem>>) src(%dma_wait3A_440 : memref<192x64xf32, #tpu.memory_space<vmem>>) dst(%dma_wait3A_436 : memref<192x64xf32, #tpu.memory_space<hbm>>)
      %dma_wait3A_441 = arith.constant 0 : i32
      %dma_wait3A_442 = arith.constant 200 : i32
      %dma_wait3A_443 = arith.constant 0 : i32
      %dma_wait3A_444 = tpu.memref_slice %arg6[%dma_wait3A_441, %dma_wait3A_442, %dma_wait3A_443] : memref<2x416x64xf32, #tpu.memory_space<vmem>> -> memref<1x8x64xf32, #tpu.memory_space<vmem>>
      %dma_wait3A_445 = tpu.memref_squeeze %dma_wait3A_444 : memref<1x8x64xf32, #tpu.memory_space<vmem>> -> memref<8x64xf32, #tpu.memory_space<vmem>>
      %dma_wait3A_446 = arith.constant 0 : i32
      %dma_wait3A_447 = tpu.memref_slice %arg4[%add3A_418, %dma_wait3A_446] : memref<819200x128xf32, #tpu.memory_space<hbm>> -> memref<8x64xf32, #tpu.memory_space<hbm>>
      %dma_wait3A_448 = arith.constant 0 : i32
      %dma_wait3A_449 = tpu.memref_slice %arg4[%add3A_418, %dma_wait3A_448] : memref<819200x128xf32, #tpu.memory_space<hbm>> -> memref<8x64xf32, #tpu.memory_space<hbm>>
      %dma_wait3A_450 = arith.constant 200 : i32
      %dma_wait3A_451 = arith.constant 0 : i32
      %dma_wait3A_452 = tpu.memref_slice %arg6[%dma_wait3A_441, %dma_wait3A_450, %dma_wait3A_451] : memref<2x416x64xf32, #tpu.memory_space<vmem>> -> memref<1x8x64xf32, #tpu.memory_space<vmem>>
      %dma_wait3A_453 = tpu.memref_squeeze %dma_wait3A_452 : memref<1x8x64xf32, #tpu.memory_space<vmem>> -> memref<8x64xf32, #tpu.memory_space<vmem>>
      tpu.wait_dma2 semaphore(%arg9 : memref<!tpu.dma_semaphore, #tpu.memory_space<semaphore_mem>>) src(%dma_wait3A_453 : memref<8x64xf32, #tpu.memory_space<vmem>>) dst(%dma_wait3A_449 : memref<8x64xf32, #tpu.memory_space<hbm>>)
      %dma_wait3A_454 = arith.constant 0 : i32
      %dma_wait3A_455 = arith.constant 208 : i32
      %dma_wait3A_456 = arith.constant 0 : i32
      %dma_wait3A_457 = tpu.memref_slice %arg6[%dma_wait3A_454, %dma_wait3A_455, %dma_wait3A_456] : memref<2x416x64xf32, #tpu.memory_space<vmem>> -> memref<1x192x64xf32, #tpu.memory_space<vmem>>
      %dma_wait3A_458 = tpu.memref_squeeze %dma_wait3A_457 : memref<1x192x64xf32, #tpu.memory_space<vmem>> -> memref<192x64xf32, #tpu.memory_space<vmem>>
      %dma_wait3A_459 = arith.constant 0 : i32
      %dma_wait3A_460 = tpu.memref_slice %arg4[%mul3A_425, %dma_wait3A_459] : memref<819200x128xf32, #tpu.memory_space<hbm>> -> memref<192x64xf32, #tpu.memory_space<hbm>>
      %dma_wait3A_461 = arith.constant 0 : i32
      %dma_wait3A_462 = tpu.memref_slice %arg4[%mul3A_425, %dma_wait3A_461] : memref<819200x128xf32, #tpu.memory_space<hbm>> -> memref<192x64xf32, #tpu.memory_space<hbm>>
      %dma_wait3A_463 = arith.constant 208 : i32
      %dma_wait3A_464 = arith.constant 0 : i32
      %dma_wait3A_465 = tpu.memref_slice %arg6[%dma_wait3A_454, %dma_wait3A_463, %dma_wait3A_464] : memref<2x416x64xf32, #tpu.memory_space<vmem>> -> memref<1x192x64xf32, #tpu.memory_space<vmem>>
      %dma_wait3A_466 = tpu.memref_squeeze %dma_wait3A_465 : memref<1x192x64xf32, #tpu.memory_space<vmem>> -> memref<192x64xf32, #tpu.memory_space<vmem>>
      tpu.wait_dma2 semaphore(%arg9 : memref<!tpu.dma_semaphore, #tpu.memory_space<semaphore_mem>>) src(%dma_wait3A_466 : memref<192x64xf32, #tpu.memory_space<vmem>>) dst(%dma_wait3A_462 : memref<192x64xf32, #tpu.memory_space<hbm>>)
      %dma_wait3A_467 = arith.constant 0 : i32
      %dma_wait3A_468 = arith.constant 408 : i32
      %dma_wait3A_469 = arith.constant 0 : i32
      %dma_wait3A_470 = tpu.memref_slice %arg6[%dma_wait3A_467, %dma_wait3A_468, %dma_wait3A_469] : memref<2x416x64xf32, #tpu.memory_space<vmem>> -> memref<1x8x64xf32, #tpu.memory_space<vmem>>
      %dma_wait3A_471 = tpu.memref_squeeze %dma_wait3A_470 : memref<1x8x64xf32, #tpu.memory_space<vmem>> -> memref<8x64xf32, #tpu.memory_space<vmem>>
      %dma_wait3A_472 = arith.constant 0 : i32
      %dma_wait3A_473 = tpu.memref_slice %arg4[%add3A_427, %dma_wait3A_472] : memref<819200x128xf32, #tpu.memory_space<hbm>> -> memref<8x64xf32, #tpu.memory_space<hbm>>
      %dma_wait3A_474 = arith.constant 0 : i32
      %dma_wait3A_475 = tpu.memref_slice %arg4[%add3A_427, %dma_wait3A_474] : memref<819200x128xf32, #tpu.memory_space<hbm>> -> memref<8x64xf32, #tpu.memory_space<hbm>>
      %dma_wait3A_476 = arith.constant 408 : i32
      %dma_wait3A_477 = arith.constant 0 : i32
      %dma_wait3A_478 = tpu.memref_slice %arg6[%dma_wait3A_467, %dma_wait3A_476, %dma_wait3A_477] : memref<2x416x64xf32, #tpu.memory_space<vmem>> -> memref<1x8x64xf32, #tpu.memory_space<vmem>>
      %dma_wait3A_479 = tpu.memref_squeeze %dma_wait3A_478 : memref<1x8x64xf32, #tpu.memory_space<vmem>> -> memref<8x64xf32, #tpu.memory_space<vmem>>
      tpu.wait_dma2 semaphore(%arg9 : memref<!tpu.dma_semaphore, #tpu.memory_space<semaphore_mem>>) src(%dma_wait3A_479 : memref<8x64xf32, #tpu.memory_space<vmem>>) dst(%dma_wait3A_475 : memref<8x64xf32, #tpu.memory_space<hbm>>)
      %add3A_480 = arith.constant 2 : i32
      %add3A_481 = arith.addi %add3A_324, %add3A_480 : i32
      %scan3A_482 = arith.constant 0 : i32
      %scan3A_483 = arith.constant 0 : i32
      %scan3A_484 = arith.constant 26 : i32
      %scan3A_485 = arith.addi %scan3A_483, %scan3A_484 : i32
      %scan3A_486 = arith.constant 1 : i32
      scf.for %scan3A_655 = %scan3A_483 to %scan3A_485 step %scan3A_486  : i32 {
        %jit3A = arith.constant 13 : i32
        %div3A = arith.divsi %scan3A_655, %jit3A : i32
        %sign3A = arith.constant 0 : i32
        %sign3A_656 = arith.cmpi sgt, %scan3A_655, %sign3A : i32
        %sign3A_657 = arith.extui %sign3A_656 : i1 to i32
        %sign3A_658 = arith.constant 0 : i32
        %sign3A_659 = arith.cmpi slt, %scan3A_655, %sign3A_658 : i32
        %sign3A_660 = arith.extui %sign3A_659 : i1 to i32
        %sign3A_661 = arith.subi %sign3A_657, %sign3A_660 : i32
        %sign3A_662 = arith.constant 0 : i32
        %sign3A_663 = arith.cmpi sgt, %jit3A, %sign3A_662 : i32
        %sign3A_664 = arith.extui %sign3A_663 : i1 to i32
        %sign3A_665 = arith.constant 0 : i32
        %sign3A_666 = arith.cmpi slt, %jit3A, %sign3A_665 : i32
        %sign3A_667 = arith.extui %sign3A_666 : i1 to i32
        %sign3A_668 = arith.subi %sign3A_664, %sign3A_667 : i32
        %ne3A = arith.cmpi ne, %sign3A_661, %sign3A_668 : i32
        %rem3A = arith.remsi %scan3A_655, %jit3A : i32
        %ne3A_669 = arith.constant 0 : i32
        %ne3A_670 = arith.cmpi ne, %rem3A, %ne3A_669 : i32
        %and3A = arith.andi %ne3A, %ne3A_670 : i1
        %sub3A = arith.constant 1 : i32
        %sub3A_671 = arith.subi %div3A, %sub3A : i32
        %select_n3A = arith.select %and3A, %sub3A_671, %div3A : i32
        %jit3A_672 = arith.constant 13 : i32
        %eq3A = arith.constant 0 : i32
        %eq3A_673 = arith.cmpi eq, %jit3A_672, %eq3A : i32
        %jit3A_674 = arith.constant 1 : i32
        %select_n3A_675 = arith.select %eq3A_673, %jit3A_674, %jit3A_672 : i32
        %rem3A_676 = arith.remsi %scan3A_655, %select_n3A_675 : i32
        %ne3A_677 = arith.constant 0 : i32
        %ne3A_678 = arith.cmpi ne, %rem3A_676, %ne3A_677 : i32
        %lt3A = arith.constant 0 : i32
        %lt3A_679 = arith.cmpi slt, %rem3A_676, %lt3A : i32
        %lt3A_680 = arith.constant 0 : i32
        %lt3A_681 = arith.cmpi slt, %select_n3A_675, %lt3A_680 : i32
        %ne3A_682 = arith.xori %lt3A_679, %lt3A_681 : i1
        %and3A_683 = arith.andi %ne3A_682, %ne3A_678 : i1
        %add3A_684 = arith.addi %rem3A_676, %select_n3A_675 : i32
        %select_n3A_685 = arith.select %and3A_683, %add3A_684, %rem3A_676 : i32
        %mul3A_686 = arith.constant 16 : i32
        %mul3A_687 = arith.muli %select_n3A_685, %mul3A_686 : i32
        %min3A = arith.constant 184 : i32
        %min3A_688 = arith.minsi %mul3A_687, %min3A : i32
        %mul3A_689 = arith.constant 2 : i32
        %mul3A_690 = arith.muli %add3A_481, %mul3A_689 : i32
        %add3A_691 = arith.addi %mul3A_690, %select_n3A : i32
        %get3A = arith.index_cast %add3A_691 : i32 to index
        %get3A_692 = arith.index_cast %min3A_688 : i32 to index
        %get3A_693 = tpu.vector_load %arg5[%get3A, %get3A_692] {strides = array<i32>} : memref<128x200xi32, #tpu.memory_space<vmem>>, vector<1x16xi32>,
        %get3A_694 = vector.shape_cast %get3A_693 : vector<1x16xi32> to vector<16xi32>
        %mul3A_695 = arith.constant 208 : i32
        %mul3A_696 = arith.muli %select_n3A, %mul3A_695 : i32
        %mul3A_697 = arith.constant 16 : i32
        %mul3A_698 = arith.muli %select_n3A_685, %mul3A_697 : i32
        %add3A_699 = arith.addi %mul3A_696, %mul3A_698 : i32
        %dma_start3A_700 = arith.constant 0 : i32
        %dma_start3A_701 = arith.constant 0 : i32
        %dma_start3A_702 = tpu.memref_slice %arg6[%dma_start3A_700, %add3A_699, %dma_start3A_701] : memref<2x416x64xf32, #tpu.memory_space<vmem>> -> memref<1x16x64xf32, #tpu.memory_space<vmem>>
        %dma_start3A_703 = tpu.memref_squeeze %dma_start3A_702 : memref<1x16x64xf32, #tpu.memory_space<vmem>> -> memref<16x64xf32, #tpu.memory_space<vmem>>
        %dma_start3A_704 = arith.constant 0 : i32
        %dma_start3A_705 = arith.constant 0 : i32
        %dma_start3A_706 = tpu.memref_slice %arg3[%dma_start3A_704, %dma_start3A_705] : memref<1000000x64xf32, #tpu.memory_space<hbm>> -> memref<1000000x64xf32, #tpu.memory_space<hbm>>
        tpu.enqueue_indirect_dma source(%dma_start3A_706 : memref<1000000x64xf32, #tpu.memory_space<hbm>>) target(%dma_start3A_703 : memref<16x64xf32, #tpu.memory_space<vmem>>) offsets(%get3A_694 : vector<16xi32>) semaphore(%arg7 : memref<!tpu.dma_semaphore, #tpu.memory_space<semaphore_mem>>)
      }
      %scan3A_487 = arith.constant 26 : i32
      %mul3A_488 = arith.constant 2 : i32
      %mul3A_489 = arith.muli %mul3A_488, %scan3A_320 : i32
      %add3A_490 = arith.constant 1 : i32
      %add3A_491 = arith.addi %mul3A_489, %add3A_490 : i32
      %dma_wait3A_492 = arith.constant 1 : i32
      %dma_wait3A_493 = arith.constant 0 : i32
      %dma_wait3A_494 = arith.constant 0 : i32
      %dma_wait3A_495 = tpu.memref_slice %arg6[%dma_wait3A_492, %dma_wait3A_493, %dma_wait3A_494] : memref<2x416x64xf32, #tpu.memory_space<vmem>> -> memref<1x416x64xf32, #tpu.memory_space<vmem>>
      %dma_wait3A_496 = tpu.memref_squeeze %dma_wait3A_495 : memref<1x416x64xf32, #tpu.memory_space<vmem>> -> memref<416x64xf32, #tpu.memory_space<vmem>>
      %dma_wait3A_497 = arith.constant 0 : i32
      %dma_wait3A_498 = arith.constant 0 : i32
      %dma_wait3A_499 = tpu.memref_slice %arg3[%dma_wait3A_497, %dma_wait3A_498] : memref<1000000x64xf32, #tpu.memory_space<hbm>> -> memref<416x64xf32, #tpu.memory_space<hbm>>
      %dma_wait3A_500 = arith.constant 0 : i32
      %dma_wait3A_501 = arith.constant 0 : i32
      %dma_wait3A_502 = tpu.memref_slice %arg6[%dma_wait3A_492, %dma_wait3A_500, %dma_wait3A_501] : memref<2x416x64xf32, #tpu.memory_space<vmem>> -> memref<1x416x64xf32, #tpu.memory_space<vmem>>
      %dma_wait3A_503 = tpu.memref_squeeze %dma_wait3A_502 : memref<1x416x64xf32, #tpu.memory_space<vmem>> -> memref<416x64xf32, #tpu.memory_space<vmem>>
      %dma_wait3A_504 = arith.constant 0 : i32
      %dma_wait3A_505 = arith.constant 0 : i32
      %dma_wait3A_506 = tpu.memref_slice %arg3[%dma_wait3A_504, %dma_wait3A_505] : memref<1000000x64xf32, #tpu.memory_space<hbm>> -> memref<416x64xf32, #tpu.memory_space<hbm>>
      tpu.wait_dma2 semaphore(%arg8 : memref<!tpu.dma_semaphore, #tpu.memory_space<semaphore_mem>>) src(%dma_wait3A_506 : memref<416x64xf32, #tpu.memory_space<hbm>>) dst(%dma_wait3A_503 : memref<416x64xf32, #tpu.memory_space<vmem>>)
      %mul3A_507 = arith.constant 2 : i32
      %mul3A_508 = arith.muli %add3A_491, %mul3A_507 : i32
      %add3A_509 = arith.addi %mul3A_2, %mul3A_508 : i32
      %add3A_510 = arith.constant 0 : i32
      %add3A_511 = arith.addi %add3A_509, %add3A_510 : i32
      %mul3A_512 = arith.constant 200 : i32
      %mul3A_513 = arith.muli %add3A_511, %mul3A_512 : i32
      %add3A_514 = arith.constant 192 : i32
      %add3A_515 = arith.addi %mul3A_513, %add3A_514 : i32
      %mul3A_516 = arith.constant 2 : i32
      %mul3A_517 = arith.muli %add3A_491, %mul3A_516 : i32
      %add3A_518 = arith.addi %mul3A_2, %mul3A_517 : i32
      %add3A_519 = arith.constant 1 : i32
      %add3A_520 = arith.addi %add3A_518, %add3A_519 : i32
      %mul3A_521 = arith.constant 200 : i32
      %mul3A_522 = arith.muli %add3A_520, %mul3A_521 : i32
      %add3A_523 = arith.constant 192 : i32
      %add3A_524 = arith.addi %mul3A_522, %add3A_523 : i32
      %dma_start3A_525 = arith.constant 1 : i32
      %dma_start3A_526 = arith.constant 0 : i32
      %dma_start3A_527 = arith.constant 0 : i32
      %dma_start3A_528 = tpu.memref_slice %arg6[%dma_start3A_525, %dma_start3A_526, %dma_start3A_527] : memref<2x416x64xf32, #tpu.memory_space<vmem>> -> memref<1x192x64xf32, #tpu.memory_space<vmem>>
      %dma_start3A_529 = tpu.memref_squeeze %dma_start3A_528 : memref<1x192x64xf32, #tpu.memory_space<vmem>> -> memref<192x64xf32, #tpu.memory_space<vmem>>
      %dma_start3A_530 = arith.constant 0 : i32
      %dma_start3A_531 = tpu.memref_slice %arg4[%mul3A_513, %dma_start3A_530] : memref<819200x128xf32, #tpu.memory_space<hbm>> -> memref<192x64xf32, #tpu.memory_space<hbm>>
      %dma_start3A_532 = arith.constant 0 : i32
      %dma_start3A_533 = tpu.memref_slice %arg4[%mul3A_513, %dma_start3A_532] : memref<819200x128xf32, #tpu.memory_space<hbm>> -> memref<192x64xf32, #tpu.memory_space<hbm>>
      %dma_start3A_534 = arith.constant 0 : i32
      %dma_start3A_535 = arith.constant 0 : i32
      %dma_start3A_536 = tpu.memref_slice %arg6[%dma_start3A_525, %dma_start3A_534, %dma_start3A_535] : memref<2x416x64xf32, #tpu.memory_space<vmem>> -> memref<1x192x64xf32, #tpu.memory_space<vmem>>
      %dma_start3A_537 = tpu.memref_squeeze %dma_start3A_536 : memref<1x192x64xf32, #tpu.memory_space<vmem>> -> memref<192x64xf32, #tpu.memory_space<vmem>>
      tpu.enqueue_dma source(%dma_start3A_537 : memref<192x64xf32, #tpu.memory_space<vmem>>) target(%dma_start3A_533 : memref<192x64xf32, #tpu.memory_space<hbm>>) target_semaphore(%arg9 : memref<!tpu.dma_semaphore, #tpu.memory_space<semaphore_mem>>)
      %dma_start3A_538 = arith.constant 1 : i32
      %dma_start3A_539 = arith.constant 200 : i32
      %dma_start3A_540 = arith.constant 0 : i32
      %dma_start3A_541 = tpu.memref_slice %arg6[%dma_start3A_538, %dma_start3A_539, %dma_start3A_540] : memref<2x416x64xf32, #tpu.memory_space<vmem>> -> memref<1x8x64xf32, #tpu.memory_space<vmem>>
      %dma_start3A_542 = tpu.memref_squeeze %dma_start3A_541 : memref<1x8x64xf32, #tpu.memory_space<vmem>> -> memref<8x64xf32, #tpu.memory_space<vmem>>
      %dma_start3A_543 = arith.constant 0 : i32
      %dma_start3A_544 = tpu.memref_slice %arg4[%add3A_515, %dma_start3A_543] : memref<819200x128xf32, #tpu.memory_space<hbm>> -> memref<8x64xf32, #tpu.memory_space<hbm>>
      %dma_start3A_545 = arith.constant 0 : i32
      %dma_start3A_546 = tpu.memref_slice %arg4[%add3A_515, %dma_start3A_545] : memref<819200x128xf32, #tpu.memory_space<hbm>> -> memref<8x64xf32, #tpu.memory_space<hbm>>
      %dma_start3A_547 = arith.constant 200 : i32
      %dma_start3A_548 = arith.constant 0 : i32
      %dma_start3A_549 = tpu.memref_slice %arg6[%dma_start3A_538, %dma_start3A_547, %dma_start3A_548] : memref<2x416x64xf32, #tpu.memory_space<vmem>> -> memref<1x8x64xf32, #tpu.memory_space<vmem>>
      %dma_start3A_550 = tpu.memref_squeeze %dma_start3A_549 : memref<1x8x64xf32, #tpu.memory_space<vmem>> -> memref<8x64xf32, #tpu.memory_space<vmem>>
      tpu.enqueue_dma source(%dma_start3A_550 : memref<8x64xf32, #tpu.memory_space<vmem>>) target(%dma_start3A_546 : memref<8x64xf32, #tpu.memory_space<hbm>>) target_semaphore(%arg9 : memref<!tpu.dma_semaphore, #tpu.memory_space<semaphore_mem>>)
      %dma_start3A_551 = arith.constant 1 : i32
      %dma_start3A_552 = arith.constant 208 : i32
      %dma_start3A_553 = arith.constant 0 : i32
      %dma_start3A_554 = tpu.memref_slice %arg6[%dma_start3A_551, %dma_start3A_552, %dma_start3A_553] : memref<2x416x64xf32, #tpu.memory_space<vmem>> -> memref<1x192x64xf32, #tpu.memory_space<vmem>>
      %dma_start3A_555 = tpu.memref_squeeze %dma_start3A_554 : memref<1x192x64xf32, #tpu.memory_space<vmem>> -> memref<192x64xf32, #tpu.memory_space<vmem>>
      %dma_start3A_556 = arith.constant 0 : i32
      %dma_start3A_557 = tpu.memref_slice %arg4[%mul3A_522, %dma_start3A_556] : memref<819200x128xf32, #tpu.memory_space<hbm>> -> memref<192x64xf32, #tpu.memory_space<hbm>>
      %dma_start3A_558 = arith.constant 0 : i32
      %dma_start3A_559 = tpu.memref_slice %arg4[%mul3A_522, %dma_start3A_558] : memref<819200x128xf32, #tpu.memory_space<hbm>> -> memref<192x64xf32, #tpu.memory_space<hbm>>
      %dma_start3A_560 = arith.constant 208 : i32
      %dma_start3A_561 = arith.constant 0 : i32
      %dma_start3A_562 = tpu.memref_slice %arg6[%dma_start3A_551, %dma_start3A_560, %dma_start3A_561] : memref<2x416x64xf32, #tpu.memory_space<vmem>> -> memref<1x192x64xf32, #tpu.memory_space<vmem>>
      %dma_start3A_563 = tpu.memref_squeeze %dma_start3A_562 : memref<1x192x64xf32, #tpu.memory_space<vmem>> -> memref<192x64xf32, #tpu.memory_space<vmem>>
      tpu.enqueue_dma source(%dma_start3A_563 : memref<192x64xf32, #tpu.memory_space<vmem>>) target(%dma_start3A_559 : memref<192x64xf32, #tpu.memory_space<hbm>>) target_semaphore(%arg9 : memref<!tpu.dma_semaphore, #tpu.memory_space<semaphore_mem>>)
      %dma_start3A_564 = arith.constant 1 : i32
      %dma_start3A_565 = arith.constant 408 : i32
      %dma_start3A_566 = arith.constant 0 : i32
      %dma_start3A_567 = tpu.memref_slice %arg6[%dma_start3A_564, %dma_start3A_565, %dma_start3A_566] : memref<2x416x64xf32, #tpu.memory_space<vmem>> -> memref<1x8x64xf32, #tpu.memory_space<vmem>>
      %dma_start3A_568 = tpu.memref_squeeze %dma_start3A_567 : memref<1x8x64xf32, #tpu.memory_space<vmem>> -> memref<8x64xf32, #tpu.memory_space<vmem>>
      %dma_start3A_569 = arith.constant 0 : i32
      %dma_start3A_570 = tpu.memref_slice %arg4[%add3A_524, %dma_start3A_569] : memref<819200x128xf32, #tpu.memory_space<hbm>> -> memref<8x64xf32, #tpu.memory_space<hbm>>
      %dma_start3A_571 = arith.constant 0 : i32
      %dma_start3A_572 = tpu.memref_slice %arg4[%add3A_524, %dma_start3A_571] : memref<819200x128xf32, #tpu.memory_space<hbm>> -> memref<8x64xf32, #tpu.memory_space<hbm>>
      %dma_start3A_573 = arith.constant 408 : i32
      %dma_start3A_574 = arith.constant 0 : i32
      %dma_start3A_575 = tpu.memref_slice %arg6[%dma_start3A_564, %dma_start3A_573, %dma_start3A_574] : memref<2x416x64xf32, #tpu.memory_space<vmem>> -> memref<1x8x64xf32, #tpu.memory_space<vmem>>
      %dma_start3A_576 = tpu.memref_squeeze %dma_start3A_575 : memref<1x8x64xf32, #tpu.memory_space<vmem>> -> memref<8x64xf32, #tpu.memory_space<vmem>>
      tpu.enqueue_dma source(%dma_start3A_576 : memref<8x64xf32, #tpu.memory_space<vmem>>) target(%dma_start3A_572 : memref<8x64xf32, #tpu.memory_space<hbm>>) target_semaphore(%arg9 : memref<!tpu.dma_semaphore, #tpu.memory_space<semaphore_mem>>)
      %mul3A_577 = arith.constant 2 : i32
      %mul3A_578 = arith.muli %add3A_491, %mul3A_577 : i32
      %add3A_579 = arith.addi %mul3A_2, %mul3A_578 : i32
      %add3A_580 = arith.constant 0 : i32
      %add3A_581 = arith.addi %add3A_579, %add3A_580 : i32
      %mul3A_582 = arith.constant 200 : i32
      %mul3A_583 = arith.muli %add3A_581, %mul3A_582 : i32
      %add3A_584 = arith.constant 192 : i32
      %add3A_585 = arith.addi %mul3A_583, %add3A_584 : i32
      %mul3A_586 = arith.constant 2 : i32
      %mul3A_587 = arith.muli %add3A_491, %mul3A_586 : i32
      %add3A_588 = arith.addi %mul3A_2, %mul3A_587 : i32
      %add3A_589 = arith.constant 1 : i32
      %add3A_590 = arith.addi %add3A_588, %add3A_589 : i32
      %mul3A_591 = arith.constant 200 : i32
      %mul3A_592 = arith.muli %add3A_590, %mul3A_591 : i32
      %add3A_593 = arith.constant 192 : i32
      %add3A_594 = arith.addi %mul3A_592, %add3A_593 : i32
      %dma_wait3A_595 = arith.constant 1 : i32
      %dma_wait3A_596 = arith.constant 0 : i32
      %dma_wait3A_597 = arith.constant 0 : i32
      %dma_wait3A_598 = tpu.memref_slice %arg6[%dma_wait3A_595, %dma_wait3A_596, %dma_wait3A_597] : memref<2x416x64xf32, #tpu.memory_space<vmem>> -> memref<1x192x64xf32, #tpu.memory_space<vmem>>
      %dma_wait3A_599 = tpu.memref_squeeze %dma_wait3A_598 : memref<1x192x64xf32, #tpu.memory_space<vmem>> -> memref<192x64xf32, #tpu.memory_space<vmem>>
      %dma_wait3A_600 = arith.constant 0 : i32
      %dma_wait3A_601 = tpu.memref_slice %arg4[%mul3A_583, %dma_wait3A_600] : memref<819200x128xf32, #tpu.memory_space<hbm>> -> memref<192x64xf32, #tpu.memory_space<hbm>>
      %dma_wait3A_602 = arith.constant 0 : i32
      %dma_wait3A_603 = tpu.memref_slice %arg4[%mul3A_583, %dma_wait3A_602] : memref<819200x128xf32, #tpu.memory_space<hbm>> -> memref<192x64xf32, #tpu.memory_space<hbm>>
      %dma_wait3A_604 = arith.constant 0 : i32
      %dma_wait3A_605 = arith.constant 0 : i32
      %dma_wait3A_606 = tpu.memref_slice %arg6[%dma_wait3A_595, %dma_wait3A_604, %dma_wait3A_605] : memref<2x416x64xf32, #tpu.memory_space<vmem>> -> memref<1x192x64xf32, #tpu.memory_space<vmem>>
      %dma_wait3A_607 = tpu.memref_squeeze %dma_wait3A_606 : memref<1x192x64xf32, #tpu.memory_space<vmem>> -> memref<192x64xf32, #tpu.memory_space<vmem>>
      tpu.wait_dma2 semaphore(%arg9 : memref<!tpu.dma_semaphore, #tpu.memory_space<semaphore_mem>>) src(%dma_wait3A_607 : memref<192x64xf32, #tpu.memory_space<vmem>>) dst(%dma_wait3A_603 : memref<192x64xf32, #tpu.memory_space<hbm>>)
      %dma_wait3A_608 = arith.constant 1 : i32
      %dma_wait3A_609 = arith.constant 200 : i32
      %dma_wait3A_610 = arith.constant 0 : i32
      %dma_wait3A_611 = tpu.memref_slice %arg6[%dma_wait3A_608, %dma_wait3A_609, %dma_wait3A_610] : memref<2x416x64xf32, #tpu.memory_space<vmem>> -> memref<1x8x64xf32, #tpu.memory_space<vmem>>
      %dma_wait3A_612 = tpu.memref_squeeze %dma_wait3A_611 : memref<1x8x64xf32, #tpu.memory_space<vmem>> -> memref<8x64xf32, #tpu.memory_space<vmem>>
      %dma_wait3A_613 = arith.constant 0 : i32
      %dma_wait3A_614 = tpu.memref_slice %arg4[%add3A_585, %dma_wait3A_613] : memref<819200x128xf32, #tpu.memory_space<hbm>> -> memref<8x64xf32, #tpu.memory_space<hbm>>
      %dma_wait3A_615 = arith.constant 0 : i32
      %dma_wait3A_616 = tpu.memref_slice %arg4[%add3A_585, %dma_wait3A_615] : memref<819200x128xf32, #tpu.memory_space<hbm>> -> memref<8x64xf32, #tpu.memory_space<hbm>>
      %dma_wait3A_617 = arith.constant 200 : i32
      %dma_wait3A_618 = arith.constant 0 : i32
      %dma_wait3A_619 = tpu.memref_slice %arg6[%dma_wait3A_608, %dma_wait3A_617, %dma_wait3A_618] : memref<2x416x64xf32, #tpu.memory_space<vmem>> -> memref<1x8x64xf32, #tpu.memory_space<vmem>>
      %dma_wait3A_620 = tpu.memref_squeeze %dma_wait3A_619 : memref<1x8x64xf32, #tpu.memory_space<vmem>> -> memref<8x64xf32, #tpu.memory_space<vmem>>
      tpu.wait_dma2 semaphore(%arg9 : memref<!tpu.dma_semaphore, #tpu.memory_space<semaphore_mem>>) src(%dma_wait3A_620 : memref<8x64xf32, #tpu.memory_space<vmem>>) dst(%dma_wait3A_616 : memref<8x64xf32, #tpu.memory_space<hbm>>)
      %dma_wait3A_621 = arith.constant 1 : i32
      %dma_wait3A_622 = arith.constant 208 : i32
      %dma_wait3A_623 = arith.constant 0 : i32
      %dma_wait3A_624 = tpu.memref_slice %arg6[%dma_wait3A_621, %dma_wait3A_622, %dma_wait3A_623] : memref<2x416x64xf32, #tpu.memory_space<vmem>> -> memref<1x192x64xf32, #tpu.memory_space<vmem>>
      %dma_wait3A_625 = tpu.memref_squeeze %dma_wait3A_624 : memref<1x192x64xf32, #tpu.memory_space<vmem>> -> memref<192x64xf32, #tpu.memory_space<vmem>>
      %dma_wait3A_626 = arith.constant 0 : i32
      %dma_wait3A_627 = tpu.memref_slice %arg4[%mul3A_592, %dma_wait3A_626] : memref<819200x128xf32, #tpu.memory_space<hbm>> -> memref<192x64xf32, #tpu.memory_space<hbm>>
      %dma_wait3A_628 = arith.constant 0 : i32
      %dma_wait3A_629 = tpu.memref_slice %arg4[%mul3A_592, %dma_wait3A_628] : memref<819200x128xf32, #tpu.memory_space<hbm>> -> memref<192x64xf32, #tpu.memory_space<hbm>>
      %dma_wait3A_630 = arith.constant 208 : i32
      %dma_wait3A_631 = arith.constant 0 : i32
      %dma_wait3A_632 = tpu.memref_slice %arg6[%dma_wait3A_621, %dma_wait3A_630, %dma_wait3A_631] : memref<2x416x64xf32, #tpu.memory_space<vmem>> -> memref<1x192x64xf32, #tpu.memory_space<vmem>>
      %dma_wait3A_633 = tpu.memref_squeeze %dma_wait3A_632 : memref<1x192x64xf32, #tpu.memory_space<vmem>> -> memref<192x64xf32, #tpu.memory_space<vmem>>
      tpu.wait_dma2 semaphore(%arg9 : memref<!tpu.dma_semaphore, #tpu.memory_space<semaphore_mem>>) src(%dma_wait3A_633 : memref<192x64xf32, #tpu.memory_space<vmem>>) dst(%dma_wait3A_629 : memref<192x64xf32, #tpu.memory_space<hbm>>)
      %dma_wait3A_634 = arith.constant 1 : i32
      %dma_wait3A_635 = arith.constant 408 : i32
      %dma_wait3A_636 = arith.constant 0 : i32
      %dma_wait3A_637 = tpu.memref_slice %arg6[%dma_wait3A_634, %dma_wait3A_635, %dma_wait3A_636] : memref<2x416x64xf32, #tpu.memory_space<vmem>> -> memref<1x8x64xf32, #tpu.memory_space<vmem>>
      %dma_wait3A_638 = tpu.memref_squeeze %dma_wait3A_637 : memref<1x8x64xf32, #tpu.memory_space<vmem>> -> memref<8x64xf32, #tpu.memory_space<vmem>>
      %dma_wait3A_639 = arith.constant 0 : i32
      %dma_wait3A_640 = tpu.memref_slice %arg4[%add3A_594, %dma_wait3A_639] : memref<819200x128xf32, #tpu.memory_space<hbm>> -> memref<8x64xf32, #tpu.memory_space<hbm>>
      %dma_wait3A_641 = arith.constant 0 : i32
      %dma_wait3A_642 = tpu.memref_slice %arg4[%add3A_594, %dma_wait3A_641] : memref<819200x128xf32, #tpu.memory_space<hbm>> -> memref<8x64xf32, #tpu.memory_space<hbm>>
      %dma_wait3A_643 = arith.constant 408 : i32
      %dma_wait3A_644 = arith.constant 0 : i32
      %dma_wait3A_645 = tpu.memref_slice %arg6[%dma_wait3A_634, %dma_wait3A_643, %dma_wait3A_644] : memref<2x416x64xf32, #tpu.memory_space<vmem>> -> memref<1x8x64xf32, #tpu.memory_space<vmem>>
      %dma_wait3A_646 = tpu.memref_squeeze %dma_wait3A_645 : memref<1x8x64xf32, #tpu.memory_space<vmem>> -> memref<8x64xf32, #tpu.memory_space<vmem>>
      tpu.wait_dma2 semaphore(%arg9 : memref<!tpu.dma_semaphore, #tpu.memory_space<semaphore_mem>>) src(%dma_wait3A_646 : memref<8x64xf32, #tpu.memory_space<vmem>>) dst(%dma_wait3A_642 : memref<8x64xf32, #tpu.memory_space<hbm>>)
      %add3A_647 = arith.constant 2 : i32
      %add3A_648 = arith.addi %add3A_491, %add3A_647 : i32
      %scan3A_649 = arith.constant 0 : i32
      %scan3A_650 = arith.constant 0 : i32
      %scan3A_651 = arith.constant 26 : i32
      %scan3A_652 = arith.addi %scan3A_650, %scan3A_651 : i32
      %scan3A_653 = arith.constant 1 : i32
      scf.for %scan3A_655 = %scan3A_650 to %scan3A_652 step %scan3A_653  : i32 {
        %jit3A = arith.constant 13 : i32
        %div3A = arith.divsi %scan3A_655, %jit3A : i32
        %sign3A = arith.constant 0 : i32
        %sign3A_656 = arith.cmpi sgt, %scan3A_655, %sign3A : i32
        %sign3A_657 = arith.extui %sign3A_656 : i1 to i32
        %sign3A_658 = arith.constant 0 : i32
        %sign3A_659 = arith.cmpi slt, %scan3A_655, %sign3A_658 : i32
        %sign3A_660 = arith.extui %sign3A_659 : i1 to i32
        %sign3A_661 = arith.subi %sign3A_657, %sign3A_660 : i32
        %sign3A_662 = arith.constant 0 : i32
        %sign3A_663 = arith.cmpi sgt, %jit3A, %sign3A_662 : i32
        %sign3A_664 = arith.extui %sign3A_663 : i1 to i32
        %sign3A_665 = arith.constant 0 : i32
        %sign3A_666 = arith.cmpi slt, %jit3A, %sign3A_665 : i32
        %sign3A_667 = arith.extui %sign3A_666 : i1 to i32
        %sign3A_668 = arith.subi %sign3A_664, %sign3A_667 : i32
        %ne3A = arith.cmpi ne, %sign3A_661, %sign3A_668 : i32
        %rem3A = arith.remsi %scan3A_655, %jit3A : i32
        %ne3A_669 = arith.constant 0 : i32
        %ne3A_670 = arith.cmpi ne, %rem3A, %ne3A_669 : i32
        %and3A = arith.andi %ne3A, %ne3A_670 : i1
        %sub3A = arith.constant 1 : i32
        %sub3A_671 = arith.subi %div3A, %sub3A : i32
        %select_n3A = arith.select %and3A, %sub3A_671, %div3A : i32
        %jit3A_672 = arith.constant 13 : i32
        %eq3A = arith.constant 0 : i32
        %eq3A_673 = arith.cmpi eq, %jit3A_672, %eq3A : i32
        %jit3A_674 = arith.constant 1 : i32
        %select_n3A_675 = arith.select %eq3A_673, %jit3A_674, %jit3A_672 : i32
        %rem3A_676 = arith.remsi %scan3A_655, %select_n3A_675 : i32
        %ne3A_677 = arith.constant 0 : i32
        %ne3A_678 = arith.cmpi ne, %rem3A_676, %ne3A_677 : i32
        %lt3A = arith.constant 0 : i32
        %lt3A_679 = arith.cmpi slt, %rem3A_676, %lt3A : i32
        %lt3A_680 = arith.constant 0 : i32
        %lt3A_681 = arith.cmpi slt, %select_n3A_675, %lt3A_680 : i32
        %ne3A_682 = arith.xori %lt3A_679, %lt3A_681 : i1
        %and3A_683 = arith.andi %ne3A_682, %ne3A_678 : i1
        %add3A_684 = arith.addi %rem3A_676, %select_n3A_675 : i32
        %select_n3A_685 = arith.select %and3A_683, %add3A_684, %rem3A_676 : i32
        %mul3A_686 = arith.constant 16 : i32
        %mul3A_687 = arith.muli %select_n3A_685, %mul3A_686 : i32
        %min3A = arith.constant 184 : i32
        %min3A_688 = arith.minsi %mul3A_687, %min3A : i32
        %mul3A_689 = arith.constant 2 : i32
        %mul3A_690 = arith.muli %add3A_648, %mul3A_689 : i32
        %add3A_691 = arith.addi %mul3A_690, %select_n3A : i32
        %get3A = arith.index_cast %add3A_691 : i32 to index
        %get3A_692 = arith.index_cast %min3A_688 : i32 to index
        %get3A_693 = tpu.vector_load %arg5[%get3A, %get3A_692] {strides = array<i32>} : memref<128x200xi32, #tpu.memory_space<vmem>>, vector<1x16xi32>,
        %get3A_694 = vector.shape_cast %get3A_693 : vector<1x16xi32> to vector<16xi32>
        %mul3A_695 = arith.constant 208 : i32
        %mul3A_696 = arith.muli %select_n3A, %mul3A_695 : i32
        %mul3A_697 = arith.constant 16 : i32
        %mul3A_698 = arith.muli %select_n3A_685, %mul3A_697 : i32
        %add3A_699 = arith.addi %mul3A_696, %mul3A_698 : i32
        %dma_start3A_700 = arith.constant 1 : i32
        %dma_start3A_701 = arith.constant 0 : i32
        %dma_start3A_702 = tpu.memref_slice %arg6[%dma_start3A_700, %add3A_699, %dma_start3A_701] : memref<2x416x64xf32, #tpu.memory_space<vmem>> -> memref<1x16x64xf32, #tpu.memory_space<vmem>>
        %dma_start3A_703 = tpu.memref_squeeze %dma_start3A_702 : memref<1x16x64xf32, #tpu.memory_space<vmem>> -> memref<16x64xf32, #tpu.memory_space<vmem>>
        %dma_start3A_704 = arith.constant 0 : i32
        %dma_start3A_705 = arith.constant 0 : i32
        %dma_start3A_706 = tpu.memref_slice %arg3[%dma_start3A_704, %dma_start3A_705] : memref<1000000x64xf32, #tpu.memory_space<hbm>> -> memref<1000000x64xf32, #tpu.memory_space<hbm>>
        tpu.enqueue_indirect_dma source(%dma_start3A_706 : memref<1000000x64xf32, #tpu.memory_space<hbm>>) target(%dma_start3A_703 : memref<16x64xf32, #tpu.memory_space<vmem>>) offsets(%get3A_694 : vector<16xi32>) semaphore(%arg8 : memref<!tpu.dma_semaphore, #tpu.memory_space<semaphore_mem>>)
      }
      %scan3A_654 = arith.constant 26 : i32
    }
    %scan3A_19 = arith.constant 31 : i32
    %dma_wait3A = arith.constant 0 : i32
    %dma_wait3A_20 = arith.constant 0 : i32
    %dma_wait3A_21 = arith.constant 0 : i32
    %dma_wait3A_22 = tpu.memref_slice %arg6[%dma_wait3A, %dma_wait3A_20, %dma_wait3A_21] : memref<2x416x64xf32, #tpu.memory_space<vmem>> -> memref<1x416x64xf32, #tpu.memory_space<vmem>>
    %dma_wait3A_23 = tpu.memref_squeeze %dma_wait3A_22 : memref<1x416x64xf32, #tpu.memory_space<vmem>> -> memref<416x64xf32, #tpu.memory_space<vmem>>
    %dma_wait3A_24 = arith.constant 0 : i32
    %dma_wait3A_25 = arith.constant 0 : i32
    %dma_wait3A_26 = tpu.memref_slice %arg3[%dma_wait3A_24, %dma_wait3A_25] : memref<1000000x64xf32, #tpu.memory_space<hbm>> -> memref<416x64xf32, #tpu.memory_space<hbm>>
    %dma_wait3A_27 = arith.constant 0 : i32
    %dma_wait3A_28 = arith.constant 0 : i32
    %dma_wait3A_29 = tpu.memref_slice %arg6[%dma_wait3A, %dma_wait3A_27, %dma_wait3A_28] : memref<2x416x64xf32, #tpu.memory_space<vmem>> -> memref<1x416x64xf32, #tpu.memory_space<vmem>>
    %dma_wait3A_30 = tpu.memref_squeeze %dma_wait3A_29 : memref<1x416x64xf32, #tpu.memory_space<vmem>> -> memref<416x64xf32, #tpu.memory_space<vmem>>
    %dma_wait3A_31 = arith.constant 0 : i32
    %dma_wait3A_32 = arith.constant 0 : i32
    %dma_wait3A_33 = tpu.memref_slice %arg3[%dma_wait3A_31, %dma_wait3A_32] : memref<1000000x64xf32, #tpu.memory_space<hbm>> -> memref<416x64xf32, #tpu.memory_space<hbm>>
    tpu.wait_dma2 semaphore(%arg7 : memref<!tpu.dma_semaphore, #tpu.memory_space<semaphore_mem>>) src(%dma_wait3A_33 : memref<416x64xf32, #tpu.memory_space<hbm>>) dst(%dma_wait3A_30 : memref<416x64xf32, #tpu.memory_space<vmem>>)
    %add3A_34 = arith.constant 124 : i32
    %add3A_35 = arith.addi %mul3A_2, %add3A_34 : i32
    %add3A_36 = arith.constant 0 : i32
    %add3A_37 = arith.addi %add3A_35, %add3A_36 : i32
    %mul3A_38 = arith.constant 200 : i32
    %mul3A_39 = arith.muli %add3A_37, %mul3A_38 : i32
    %add3A_40 = arith.constant 192 : i32
    %add3A_41 = arith.addi %mul3A_39, %add3A_40 : i32
    %add3A_42 = arith.constant 124 : i32
    %add3A_43 = arith.addi %mul3A_2, %add3A_42 : i32
    %add3A_44 = arith.constant 1 : i32
    %add3A_45 = arith.addi %add3A_43, %add3A_44 : i32
    %mul3A_46 = arith.constant 200 : i32
    %mul3A_47 = arith.muli %add3A_45, %mul3A_46 : i32
    %add3A_48 = arith.constant 192 : i32
    %add3A_49 = arith.addi %mul3A_47, %add3A_48 : i32
    %dma_start3A = arith.constant 0 : i32
    %dma_start3A_50 = arith.constant 0 : i32
    %dma_start3A_51 = arith.constant 0 : i32
    %dma_start3A_52 = tpu.memref_slice %arg6[%dma_start3A, %dma_start3A_50, %dma_start3A_51] : memref<2x416x64xf32, #tpu.memory_space<vmem>> -> memref<1x192x64xf32, #tpu.memory_space<vmem>>
    %dma_start3A_53 = tpu.memref_squeeze %dma_start3A_52 : memref<1x192x64xf32, #tpu.memory_space<vmem>> -> memref<192x64xf32, #tpu.memory_space<vmem>>
    %dma_start3A_54 = arith.constant 0 : i32
    %dma_start3A_55 = tpu.memref_slice %arg4[%mul3A_39, %dma_start3A_54] : memref<819200x128xf32, #tpu.memory_space<hbm>> -> memref<192x64xf32, #tpu.memory_space<hbm>>
    %dma_start3A_56 = arith.constant 0 : i32
    %dma_start3A_57 = tpu.memref_slice %arg4[%mul3A_39, %dma_start3A_56] : memref<819200x128xf32, #tpu.memory_space<hbm>> -> memref<192x64xf32, #tpu.memory_space<hbm>>
    %dma_start3A_58 = arith.constant 0 : i32
    %dma_start3A_59 = arith.constant 0 : i32
    %dma_start3A_60 = tpu.memref_slice %arg6[%dma_start3A, %dma_start3A_58, %dma_start3A_59] : memref<2x416x64xf32, #tpu.memory_space<vmem>> -> memref<1x192x64xf32, #tpu.memory_space<vmem>>
    %dma_start3A_61 = tpu.memref_squeeze %dma_start3A_60 : memref<1x192x64xf32, #tpu.memory_space<vmem>> -> memref<192x64xf32, #tpu.memory_space<vmem>>
    tpu.enqueue_dma source(%dma_start3A_61 : memref<192x64xf32, #tpu.memory_space<vmem>>) target(%dma_start3A_57 : memref<192x64xf32, #tpu.memory_space<hbm>>) target_semaphore(%arg9 : memref<!tpu.dma_semaphore, #tpu.memory_space<semaphore_mem>>)
    %dma_start3A_62 = arith.constant 0 : i32
    %dma_start3A_63 = arith.constant 200 : i32
    %dma_start3A_64 = arith.constant 0 : i32
    %dma_start3A_65 = tpu.memref_slice %arg6[%dma_start3A_62, %dma_start3A_63, %dma_start3A_64] : memref<2x416x64xf32, #tpu.memory_space<vmem>> -> memref<1x8x64xf32, #tpu.memory_space<vmem>>
    %dma_start3A_66 = tpu.memref_squeeze %dma_start3A_65 : memref<1x8x64xf32, #tpu.memory_space<vmem>> -> memref<8x64xf32, #tpu.memory_space<vmem>>
    %dma_start3A_67 = arith.constant 0 : i32
    %dma_start3A_68 = tpu.memref_slice %arg4[%add3A_41, %dma_start3A_67] : memref<819200x128xf32, #tpu.memory_space<hbm>> -> memref<8x64xf32, #tpu.memory_space<hbm>>
    %dma_start3A_69 = arith.constant 0 : i32
    %dma_start3A_70 = tpu.memref_slice %arg4[%add3A_41, %dma_start3A_69] : memref<819200x128xf32, #tpu.memory_space<hbm>> -> memref<8x64xf32, #tpu.memory_space<hbm>>
    %dma_start3A_71 = arith.constant 200 : i32
    %dma_start3A_72 = arith.constant 0 : i32
    %dma_start3A_73 = tpu.memref_slice %arg6[%dma_start3A_62, %dma_start3A_71, %dma_start3A_72] : memref<2x416x64xf32, #tpu.memory_space<vmem>> -> memref<1x8x64xf32, #tpu.memory_space<vmem>>
    %dma_start3A_74 = tpu.memref_squeeze %dma_start3A_73 : memref<1x8x64xf32, #tpu.memory_space<vmem>> -> memref<8x64xf32, #tpu.memory_space<vmem>>
    tpu.enqueue_dma source(%dma_start3A_74 : memref<8x64xf32, #tpu.memory_space<vmem>>) target(%dma_start3A_70 : memref<8x64xf32, #tpu.memory_space<hbm>>) target_semaphore(%arg9 : memref<!tpu.dma_semaphore, #tpu.memory_space<semaphore_mem>>)
    %dma_start3A_75 = arith.constant 0 : i32
    %dma_start3A_76 = arith.constant 208 : i32
    %dma_start3A_77 = arith.constant 0 : i32
    %dma_start3A_78 = tpu.memref_slice %arg6[%dma_start3A_75, %dma_start3A_76, %dma_start3A_77] : memref<2x416x64xf32, #tpu.memory_space<vmem>> -> memref<1x192x64xf32, #tpu.memory_space<vmem>>
    %dma_start3A_79 = tpu.memref_squeeze %dma_start3A_78 : memref<1x192x64xf32, #tpu.memory_space<vmem>> -> memref<192x64xf32, #tpu.memory_space<vmem>>
    %dma_start3A_80 = arith.constant 0 : i32
    %dma_start3A_81 = tpu.memref_slice %arg4[%mul3A_47, %dma_start3A_80] : memref<819200x128xf32, #tpu.memory_space<hbm>> -> memref<192x64xf32, #tpu.memory_space<hbm>>
    %dma_start3A_82 = arith.constant 0 : i32
    %dma_start3A_83 = tpu.memref_slice %arg4[%mul3A_47, %dma_start3A_82] : memref<819200x128xf32, #tpu.memory_space<hbm>> -> memref<192x64xf32, #tpu.memory_space<hbm>>
    %dma_start3A_84 = arith.constant 208 : i32
    %dma_start3A_85 = arith.constant 0 : i32
    %dma_start3A_86 = tpu.memref_slice %arg6[%dma_start3A_75, %dma_start3A_84, %dma_start3A_85] : memref<2x416x64xf32, #tpu.memory_space<vmem>> -> memref<1x192x64xf32, #tpu.memory_space<vmem>>
    %dma_start3A_87 = tpu.memref_squeeze %dma_start3A_86 : memref<1x192x64xf32, #tpu.memory_space<vmem>> -> memref<192x64xf32, #tpu.memory_space<vmem>>
    tpu.enqueue_dma source(%dma_start3A_87 : memref<192x64xf32, #tpu.memory_space<vmem>>) target(%dma_start3A_83 : memref<192x64xf32, #tpu.memory_space<hbm>>) target_semaphore(%arg9 : memref<!tpu.dma_semaphore, #tpu.memory_space<semaphore_mem>>)
    %dma_start3A_88 = arith.constant 0 : i32
    %dma_start3A_89 = arith.constant 408 : i32
    %dma_start3A_90 = arith.constant 0 : i32
    %dma_start3A_91 = tpu.memref_slice %arg6[%dma_start3A_88, %dma_start3A_89, %dma_start3A_90] : memref<2x416x64xf32, #tpu.memory_space<vmem>> -> memref<1x8x64xf32, #tpu.memory_space<vmem>>
    %dma_start3A_92 = tpu.memref_squeeze %dma_start3A_91 : memref<1x8x64xf32, #tpu.memory_space<vmem>> -> memref<8x64xf32, #tpu.memory_space<vmem>>
    %dma_start3A_93 = arith.constant 0 : i32
    %dma_start3A_94 = tpu.memref_slice %arg4[%add3A_49, %dma_start3A_93] : memref<819200x128xf32, #tpu.memory_space<hbm>> -> memref<8x64xf32, #tpu.memory_space<hbm>>
    %dma_start3A_95 = arith.constant 0 : i32
    %dma_start3A_96 = tpu.memref_slice %arg4[%add3A_49, %dma_start3A_95] : memref<819200x128xf32, #tpu.memory_space<hbm>> -> memref<8x64xf32, #tpu.memory_space<hbm>>
    %dma_start3A_97 = arith.constant 408 : i32
    %dma_start3A_98 = arith.constant 0 : i32
    %dma_start3A_99 = tpu.memref_slice %arg6[%dma_start3A_88, %dma_start3A_97, %dma_start3A_98] : memref<2x416x64xf32, #tpu.memory_space<vmem>> -> memref<1x8x64xf32, #tpu.memory_space<vmem>>
    %dma_start3A_100 = tpu.memref_squeeze %dma_start3A_99 : memref<1x8x64xf32, #tpu.memory_space<vmem>> -> memref<8x64xf32, #tpu.memory_space<vmem>>
    tpu.enqueue_dma source(%dma_start3A_100 : memref<8x64xf32, #tpu.memory_space<vmem>>) target(%dma_start3A_96 : memref<8x64xf32, #tpu.memory_space<hbm>>) target_semaphore(%arg9 : memref<!tpu.dma_semaphore, #tpu.memory_space<semaphore_mem>>)
    %add3A_101 = arith.constant 124 : i32
    %add3A_102 = arith.addi %mul3A_2, %add3A_101 : i32
    %add3A_103 = arith.constant 0 : i32
    %add3A_104 = arith.addi %add3A_102, %add3A_103 : i32
    %mul3A_105 = arith.constant 200 : i32
    %mul3A_106 = arith.muli %add3A_104, %mul3A_105 : i32
    %add3A_107 = arith.constant 192 : i32
    %add3A_108 = arith.addi %mul3A_106, %add3A_107 : i32
    %add3A_109 = arith.constant 124 : i32
    %add3A_110 = arith.addi %mul3A_2, %add3A_109 : i32
    %add3A_111 = arith.constant 1 : i32
    %add3A_112 = arith.addi %add3A_110, %add3A_111 : i32
    %mul3A_113 = arith.constant 200 : i32
    %mul3A_114 = arith.muli %add3A_112, %mul3A_113 : i32
    %add3A_115 = arith.constant 192 : i32
    %add3A_116 = arith.addi %mul3A_114, %add3A_115 : i32
    %dma_wait3A_117 = arith.constant 0 : i32
    %dma_wait3A_118 = arith.constant 0 : i32
    %dma_wait3A_119 = arith.constant 0 : i32
    %dma_wait3A_120 = tpu.memref_slice %arg6[%dma_wait3A_117, %dma_wait3A_118, %dma_wait3A_119] : memref<2x416x64xf32, #tpu.memory_space<vmem>> -> memref<1x192x64xf32, #tpu.memory_space<vmem>>
    %dma_wait3A_121 = tpu.memref_squeeze %dma_wait3A_120 : memref<1x192x64xf32, #tpu.memory_space<vmem>> -> memref<192x64xf32, #tpu.memory_space<vmem>>
    %dma_wait3A_122 = arith.constant 0 : i32
    %dma_wait3A_123 = tpu.memref_slice %arg4[%mul3A_106, %dma_wait3A_122] : memref<819200x128xf32, #tpu.memory_space<hbm>> -> memref<192x64xf32, #tpu.memory_space<hbm>>
    %dma_wait3A_124 = arith.constant 0 : i32
    %dma_wait3A_125 = tpu.memref_slice %arg4[%mul3A_106, %dma_wait3A_124] : memref<819200x128xf32, #tpu.memory_space<hbm>> -> memref<192x64xf32, #tpu.memory_space<hbm>>
    %dma_wait3A_126 = arith.constant 0 : i32
    %dma_wait3A_127 = arith.constant 0 : i32
    %dma_wait3A_128 = tpu.memref_slice %arg6[%dma_wait3A_117, %dma_wait3A_126, %dma_wait3A_127] : memref<2x416x64xf32, #tpu.memory_space<vmem>> -> memref<1x192x64xf32, #tpu.memory_space<vmem>>
    %dma_wait3A_129 = tpu.memref_squeeze %dma_wait3A_128 : memref<1x192x64xf32, #tpu.memory_space<vmem>> -> memref<192x64xf32, #tpu.memory_space<vmem>>
    tpu.wait_dma2 semaphore(%arg9 : memref<!tpu.dma_semaphore, #tpu.memory_space<semaphore_mem>>) src(%dma_wait3A_129 : memref<192x64xf32, #tpu.memory_space<vmem>>) dst(%dma_wait3A_125 : memref<192x64xf32, #tpu.memory_space<hbm>>)
    %dma_wait3A_130 = arith.constant 0 : i32
    %dma_wait3A_131 = arith.constant 200 : i32
    %dma_wait3A_132 = arith.constant 0 : i32
    %dma_wait3A_133 = tpu.memref_slice %arg6[%dma_wait3A_130, %dma_wait3A_131, %dma_wait3A_132] : memref<2x416x64xf32, #tpu.memory_space<vmem>> -> memref<1x8x64xf32, #tpu.memory_space<vmem>>
    %dma_wait3A_134 = tpu.memref_squeeze %dma_wait3A_133 : memref<1x8x64xf32, #tpu.memory_space<vmem>> -> memref<8x64xf32, #tpu.memory_space<vmem>>
    %dma_wait3A_135 = arith.constant 0 : i32
    %dma_wait3A_136 = tpu.memref_slice %arg4[%add3A_108, %dma_wait3A_135] : memref<819200x128xf32, #tpu.memory_space<hbm>> -> memref<8x64xf32, #tpu.memory_space<hbm>>
    %dma_wait3A_137 = arith.constant 0 : i32
    %dma_wait3A_138 = tpu.memref_slice %arg4[%add3A_108, %dma_wait3A_137] : memref<819200x128xf32, #tpu.memory_space<hbm>> -> memref<8x64xf32, #tpu.memory_space<hbm>>
    %dma_wait3A_139 = arith.constant 200 : i32
    %dma_wait3A_140 = arith.constant 0 : i32
    %dma_wait3A_141 = tpu.memref_slice %arg6[%dma_wait3A_130, %dma_wait3A_139, %dma_wait3A_140] : memref<2x416x64xf32, #tpu.memory_space<vmem>> -> memref<1x8x64xf32, #tpu.memory_space<vmem>>
    %dma_wait3A_142 = tpu.memref_squeeze %dma_wait3A_141 : memref<1x8x64xf32, #tpu.memory_space<vmem>> -> memref<8x64xf32, #tpu.memory_space<vmem>>
    tpu.wait_dma2 semaphore(%arg9 : memref<!tpu.dma_semaphore, #tpu.memory_space<semaphore_mem>>) src(%dma_wait3A_142 : memref<8x64xf32, #tpu.memory_space<vmem>>) dst(%dma_wait3A_138 : memref<8x64xf32, #tpu.memory_space<hbm>>)
    %dma_wait3A_143 = arith.constant 0 : i32
    %dma_wait3A_144 = arith.constant 208 : i32
    %dma_wait3A_145 = arith.constant 0 : i32
    %dma_wait3A_146 = tpu.memref_slice %arg6[%dma_wait3A_143, %dma_wait3A_144, %dma_wait3A_145] : memref<2x416x64xf32, #tpu.memory_space<vmem>> -> memref<1x192x64xf32, #tpu.memory_space<vmem>>
    %dma_wait3A_147 = tpu.memref_squeeze %dma_wait3A_146 : memref<1x192x64xf32, #tpu.memory_space<vmem>> -> memref<192x64xf32, #tpu.memory_space<vmem>>
    %dma_wait3A_148 = arith.constant 0 : i32
    %dma_wait3A_149 = tpu.memref_slice %arg4[%mul3A_114, %dma_wait3A_148] : memref<819200x128xf32, #tpu.memory_space<hbm>> -> memref<192x64xf32, #tpu.memory_space<hbm>>
    %dma_wait3A_150 = arith.constant 0 : i32
    %dma_wait3A_151 = tpu.memref_slice %arg4[%mul3A_114, %dma_wait3A_150] : memref<819200x128xf32, #tpu.memory_space<hbm>> -> memref<192x64xf32, #tpu.memory_space<hbm>>
    %dma_wait3A_152 = arith.constant 208 : i32
    %dma_wait3A_153 = arith.constant 0 : i32
    %dma_wait3A_154 = tpu.memref_slice %arg6[%dma_wait3A_143, %dma_wait3A_152, %dma_wait3A_153] : memref<2x416x64xf32, #tpu.memory_space<vmem>> -> memref<1x192x64xf32, #tpu.memory_space<vmem>>
    %dma_wait3A_155 = tpu.memref_squeeze %dma_wait3A_154 : memref<1x192x64xf32, #tpu.memory_space<vmem>> -> memref<192x64xf32, #tpu.memory_space<vmem>>
    tpu.wait_dma2 semaphore(%arg9 : memref<!tpu.dma_semaphore, #tpu.memory_space<semaphore_mem>>) src(%dma_wait3A_155 : memref<192x64xf32, #tpu.memory_space<vmem>>) dst(%dma_wait3A_151 : memref<192x64xf32, #tpu.memory_space<hbm>>)
    %dma_wait3A_156 = arith.constant 0 : i32
    %dma_wait3A_157 = arith.constant 408 : i32
    %dma_wait3A_158 = arith.constant 0 : i32
    %dma_wait3A_159 = tpu.memref_slice %arg6[%dma_wait3A_156, %dma_wait3A_157, %dma_wait3A_158] : memref<2x416x64xf32, #tpu.memory_space<vmem>> -> memref<1x8x64xf32, #tpu.memory_space<vmem>>
    %dma_wait3A_160 = tpu.memref_squeeze %dma_wait3A_159 : memref<1x8x64xf32, #tpu.memory_space<vmem>> -> memref<8x64xf32, #tpu.memory_space<vmem>>
    %dma_wait3A_161 = arith.constant 0 : i32
    %dma_wait3A_162 = tpu.memref_slice %arg4[%add3A_116, %dma_wait3A_161] : memref<819200x128xf32, #tpu.memory_space<hbm>> -> memref<8x64xf32, #tpu.memory_space<hbm>>
    %dma_wait3A_163 = arith.constant 0 : i32
    %dma_wait3A_164 = tpu.memref_slice %arg4[%add3A_116, %dma_wait3A_163] : memref<819200x128xf32, #tpu.memory_space<hbm>> -> memref<8x64xf32, #tpu.memory_space<hbm>>
    %dma_wait3A_165 = arith.constant 408 : i32
    %dma_wait3A_166 = arith.constant 0 : i32
    %dma_wait3A_167 = tpu.memref_slice %arg6[%dma_wait3A_156, %dma_wait3A_165, %dma_wait3A_166] : memref<2x416x64xf32, #tpu.memory_space<vmem>> -> memref<1x8x64xf32, #tpu.memory_space<vmem>>
    %dma_wait3A_168 = tpu.memref_squeeze %dma_wait3A_167 : memref<1x8x64xf32, #tpu.memory_space<vmem>> -> memref<8x64xf32, #tpu.memory_space<vmem>>
    tpu.wait_dma2 semaphore(%arg9 : memref<!tpu.dma_semaphore, #tpu.memory_space<semaphore_mem>>) src(%dma_wait3A_168 : memref<8x64xf32, #tpu.memory_space<vmem>>) dst(%dma_wait3A_164 : memref<8x64xf32, #tpu.memory_space<hbm>>)
    %dma_wait3A_169 = arith.constant 1 : i32
    %dma_wait3A_170 = arith.constant 0 : i32
    %dma_wait3A_171 = arith.constant 0 : i32
    %dma_wait3A_172 = tpu.memref_slice %arg6[%dma_wait3A_169, %dma_wait3A_170, %dma_wait3A_171] : memref<2x416x64xf32, #tpu.memory_space<vmem>> -> memref<1x416x64xf32, #tpu.memory_space<vmem>>
    %dma_wait3A_173 = tpu.memref_squeeze %dma_wait3A_172 : memref<1x416x64xf32, #tpu.memory_space<vmem>> -> memref<416x64xf32, #tpu.memory_space<vmem>>
    %dma_wait3A_174 = arith.constant 0 : i32
    %dma_wait3A_175 = arith.constant 0 : i32
    %dma_wait3A_176 = tpu.memref_slice %arg3[%dma_wait3A_174, %dma_wait3A_175] : memref<1000000x64xf32, #tpu.memory_space<hbm>> -> memref<416x64xf32, #tpu.memory_space<hbm>>
    %dma_wait3A_177 = arith.constant 0 : i32
    %dma_wait3A_178 = arith.constant 0 : i32
    %dma_wait3A_179 = tpu.memref_slice %arg6[%dma_wait3A_169, %dma_wait3A_177, %dma_wait3A_178] : memref<2x416x64xf32, #tpu.memory_space<vmem>> -> memref<1x416x64xf32, #tpu.memory_space<vmem>>
    %dma_wait3A_180 = tpu.memref_squeeze %dma_wait3A_179 : memref<1x416x64xf32, #tpu.memory_space<vmem>> -> memref<416x64xf32, #tpu.memory_space<vmem>>
    %dma_wait3A_181 = arith.constant 0 : i32
    %dma_wait3A_182 = arith.constant 0 : i32
    %dma_wait3A_183 = tpu.memref_slice %arg3[%dma_wait3A_181, %dma_wait3A_182] : memref<1000000x64xf32, #tpu.memory_space<hbm>> -> memref<416x64xf32, #tpu.memory_space<hbm>>
    tpu.wait_dma2 semaphore(%arg8 : memref<!tpu.dma_semaphore, #tpu.memory_space<semaphore_mem>>) src(%dma_wait3A_183 : memref<416x64xf32, #tpu.memory_space<hbm>>) dst(%dma_wait3A_180 : memref<416x64xf32, #tpu.memory_space<vmem>>)
    %add3A_184 = arith.constant 126 : i32
    %add3A_185 = arith.addi %mul3A_2, %add3A_184 : i32
    %add3A_186 = arith.constant 0 : i32
    %add3A_187 = arith.addi %add3A_185, %add3A_186 : i32
    %mul3A_188 = arith.constant 200 : i32
    %mul3A_189 = arith.muli %add3A_187, %mul3A_188 : i32
    %add3A_190 = arith.constant 192 : i32
    %add3A_191 = arith.addi %mul3A_189, %add3A_190 : i32
    %add3A_192 = arith.constant 126 : i32
    %add3A_193 = arith.addi %mul3A_2, %add3A_192 : i32
    %add3A_194 = arith.constant 1 : i32
    %add3A_195 = arith.addi %add3A_193, %add3A_194 : i32
    %mul3A_196 = arith.constant 200 : i32
    %mul3A_197 = arith.muli %add3A_195, %mul3A_196 : i32
    %add3A_198 = arith.constant 192 : i32
    %add3A_199 = arith.addi %mul3A_197, %add3A_198 : i32
    %dma_start3A_200 = arith.constant 1 : i32
    %dma_start3A_201 = arith.constant 0 : i32
    %dma_start3A_202 = arith.constant 0 : i32
    %dma_start3A_203 = tpu.memref_slice %arg6[%dma_start3A_200, %dma_start3A_201, %dma_start3A_202] : memref<2x416x64xf32, #tpu.memory_space<vmem>> -> memref<1x192x64xf32, #tpu.memory_space<vmem>>
    %dma_start3A_204 = tpu.memref_squeeze %dma_start3A_203 : memref<1x192x64xf32, #tpu.memory_space<vmem>> -> memref<192x64xf32, #tpu.memory_space<vmem>>
    %dma_start3A_205 = arith.constant 0 : i32
    %dma_start3A_206 = tpu.memref_slice %arg4[%mul3A_189, %dma_start3A_205] : memref<819200x128xf32, #tpu.memory_space<hbm>> -> memref<192x64xf32, #tpu.memory_space<hbm>>
    %dma_start3A_207 = arith.constant 0 : i32
    %dma_start3A_208 = tpu.memref_slice %arg4[%mul3A_189, %dma_start3A_207] : memref<819200x128xf32, #tpu.memory_space<hbm>> -> memref<192x64xf32, #tpu.memory_space<hbm>>
    %dma_start3A_209 = arith.constant 0 : i32
    %dma_start3A_210 = arith.constant 0 : i32
    %dma_start3A_211 = tpu.memref_slice %arg6[%dma_start3A_200, %dma_start3A_209, %dma_start3A_210] : memref<2x416x64xf32, #tpu.memory_space<vmem>> -> memref<1x192x64xf32, #tpu.memory_space<vmem>>
    %dma_start3A_212 = tpu.memref_squeeze %dma_start3A_211 : memref<1x192x64xf32, #tpu.memory_space<vmem>> -> memref<192x64xf32, #tpu.memory_space<vmem>>
    tpu.enqueue_dma source(%dma_start3A_212 : memref<192x64xf32, #tpu.memory_space<vmem>>) target(%dma_start3A_208 : memref<192x64xf32, #tpu.memory_space<hbm>>) target_semaphore(%arg9 : memref<!tpu.dma_semaphore, #tpu.memory_space<semaphore_mem>>)
    %dma_start3A_213 = arith.constant 1 : i32
    %dma_start3A_214 = arith.constant 200 : i32
    %dma_start3A_215 = arith.constant 0 : i32
    %dma_start3A_216 = tpu.memref_slice %arg6[%dma_start3A_213, %dma_start3A_214, %dma_start3A_215] : memref<2x416x64xf32, #tpu.memory_space<vmem>> -> memref<1x8x64xf32, #tpu.memory_space<vmem>>
    %dma_start3A_217 = tpu.memref_squeeze %dma_start3A_216 : memref<1x8x64xf32, #tpu.memory_space<vmem>> -> memref<8x64xf32, #tpu.memory_space<vmem>>
    %dma_start3A_218 = arith.constant 0 : i32
    %dma_start3A_219 = tpu.memref_slice %arg4[%add3A_191, %dma_start3A_218] : memref<819200x128xf32, #tpu.memory_space<hbm>> -> memref<8x64xf32, #tpu.memory_space<hbm>>
    %dma_start3A_220 = arith.constant 0 : i32
    %dma_start3A_221 = tpu.memref_slice %arg4[%add3A_191, %dma_start3A_220] : memref<819200x128xf32, #tpu.memory_space<hbm>> -> memref<8x64xf32, #tpu.memory_space<hbm>>
    %dma_start3A_222 = arith.constant 200 : i32
    %dma_start3A_223 = arith.constant 0 : i32
    %dma_start3A_224 = tpu.memref_slice %arg6[%dma_start3A_213, %dma_start3A_222, %dma_start3A_223] : memref<2x416x64xf32, #tpu.memory_space<vmem>> -> memref<1x8x64xf32, #tpu.memory_space<vmem>>
    %dma_start3A_225 = tpu.memref_squeeze %dma_start3A_224 : memref<1x8x64xf32, #tpu.memory_space<vmem>> -> memref<8x64xf32, #tpu.memory_space<vmem>>
    tpu.enqueue_dma source(%dma_start3A_225 : memref<8x64xf32, #tpu.memory_space<vmem>>) target(%dma_start3A_221 : memref<8x64xf32, #tpu.memory_space<hbm>>) target_semaphore(%arg9 : memref<!tpu.dma_semaphore, #tpu.memory_space<semaphore_mem>>)
    %dma_start3A_226 = arith.constant 1 : i32
    %dma_start3A_227 = arith.constant 208 : i32
    %dma_start3A_228 = arith.constant 0 : i32
    %dma_start3A_229 = tpu.memref_slice %arg6[%dma_start3A_226, %dma_start3A_227, %dma_start3A_228] : memref<2x416x64xf32, #tpu.memory_space<vmem>> -> memref<1x192x64xf32, #tpu.memory_space<vmem>>
    %dma_start3A_230 = tpu.memref_squeeze %dma_start3A_229 : memref<1x192x64xf32, #tpu.memory_space<vmem>> -> memref<192x64xf32, #tpu.memory_space<vmem>>
    %dma_start3A_231 = arith.constant 0 : i32
    %dma_start3A_232 = tpu.memref_slice %arg4[%mul3A_197, %dma_start3A_231] : memref<819200x128xf32, #tpu.memory_space<hbm>> -> memref<192x64xf32, #tpu.memory_space<hbm>>
    %dma_start3A_233 = arith.constant 0 : i32
    %dma_start3A_234 = tpu.memref_slice %arg4[%mul3A_197, %dma_start3A_233] : memref<819200x128xf32, #tpu.memory_space<hbm>> -> memref<192x64xf32, #tpu.memory_space<hbm>>
    %dma_start3A_235 = arith.constant 208 : i32
    %dma_start3A_236 = arith.constant 0 : i32
    %dma_start3A_237 = tpu.memref_slice %arg6[%dma_start3A_226, %dma_start3A_235, %dma_start3A_236] : memref<2x416x64xf32, #tpu.memory_space<vmem>> -> memref<1x192x64xf32, #tpu.memory_space<vmem>>
    %dma_start3A_238 = tpu.memref_squeeze %dma_start3A_237 : memref<1x192x64xf32, #tpu.memory_space<vmem>> -> memref<192x64xf32, #tpu.memory_space<vmem>>
    tpu.enqueue_dma source(%dma_start3A_238 : memref<192x64xf32, #tpu.memory_space<vmem>>) target(%dma_start3A_234 : memref<192x64xf32, #tpu.memory_space<hbm>>) target_semaphore(%arg9 : memref<!tpu.dma_semaphore, #tpu.memory_space<semaphore_mem>>)
    %dma_start3A_239 = arith.constant 1 : i32
    %dma_start3A_240 = arith.constant 408 : i32
    %dma_start3A_241 = arith.constant 0 : i32
    %dma_start3A_242 = tpu.memref_slice %arg6[%dma_start3A_239, %dma_start3A_240, %dma_start3A_241] : memref<2x416x64xf32, #tpu.memory_space<vmem>> -> memref<1x8x64xf32, #tpu.memory_space<vmem>>
    %dma_start3A_243 = tpu.memref_squeeze %dma_start3A_242 : memref<1x8x64xf32, #tpu.memory_space<vmem>> -> memref<8x64xf32, #tpu.memory_space<vmem>>
    %dma_start3A_244 = arith.constant 0 : i32
    %dma_start3A_245 = tpu.memref_slice %arg4[%add3A_199, %dma_start3A_244] : memref<819200x128xf32, #tpu.memory_space<hbm>> -> memref<8x64xf32, #tpu.memory_space<hbm>>
    %dma_start3A_246 = arith.constant 0 : i32
    %dma_start3A_247 = tpu.memref_slice %arg4[%add3A_199, %dma_start3A_246] : memref<819200x128xf32, #tpu.memory_space<hbm>> -> memref<8x64xf32, #tpu.memory_space<hbm>>
    %dma_start3A_248 = arith.constant 408 : i32
    %dma_start3A_249 = arith.constant 0 : i32
    %dma_start3A_250 = tpu.memref_slice %arg6[%dma_start3A_239, %dma_start3A_248, %dma_start3A_249] : memref<2x416x64xf32, #tpu.memory_space<vmem>> -> memref<1x8x64xf32, #tpu.memory_space<vmem>>
    %dma_start3A_251 = tpu.memref_squeeze %dma_start3A_250 : memref<1x8x64xf32, #tpu.memory_space<vmem>> -> memref<8x64xf32, #tpu.memory_space<vmem>>
    tpu.enqueue_dma source(%dma_start3A_251 : memref<8x64xf32, #tpu.memory_space<vmem>>) target(%dma_start3A_247 : memref<8x64xf32, #tpu.memory_space<hbm>>) target_semaphore(%arg9 : memref<!tpu.dma_semaphore, #tpu.memory_space<semaphore_mem>>)
    %add3A_252 = arith.constant 126 : i32
    %add3A_253 = arith.addi %mul3A_2, %add3A_252 : i32
    %add3A_254 = arith.constant 0 : i32
    %add3A_255 = arith.addi %add3A_253, %add3A_254 : i32
    %mul3A_256 = arith.constant 200 : i32
    %mul3A_257 = arith.muli %add3A_255, %mul3A_256 : i32
    %add3A_258 = arith.constant 192 : i32
    %add3A_259 = arith.addi %mul3A_257, %add3A_258 : i32
    %add3A_260 = arith.constant 126 : i32
    %add3A_261 = arith.addi %mul3A_2, %add3A_260 : i32
    %add3A_262 = arith.constant 1 : i32
    %add3A_263 = arith.addi %add3A_261, %add3A_262 : i32
    %mul3A_264 = arith.constant 200 : i32
    %mul3A_265 = arith.muli %add3A_263, %mul3A_264 : i32
    %add3A_266 = arith.constant 192 : i32
    %add3A_267 = arith.addi %mul3A_265, %add3A_266 : i32
    %dma_wait3A_268 = arith.constant 1 : i32
    %dma_wait3A_269 = arith.constant 0 : i32
    %dma_wait3A_270 = arith.constant 0 : i32
    %dma_wait3A_271 = tpu.memref_slice %arg6[%dma_wait3A_268, %dma_wait3A_269, %dma_wait3A_270] : memref<2x416x64xf32, #tpu.memory_space<vmem>> -> memref<1x192x64xf32, #tpu.memory_space<vmem>>
    %dma_wait3A_272 = tpu.memref_squeeze %dma_wait3A_271 : memref<1x192x64xf32, #tpu.memory_space<vmem>> -> memref<192x64xf32, #tpu.memory_space<vmem>>
    %dma_wait3A_273 = arith.constant 0 : i32
    %dma_wait3A_274 = tpu.memref_slice %arg4[%mul3A_257, %dma_wait3A_273] : memref<819200x128xf32, #tpu.memory_space<hbm>> -> memref<192x64xf32, #tpu.memory_space<hbm>>
    %dma_wait3A_275 = arith.constant 0 : i32
    %dma_wait3A_276 = tpu.memref_slice %arg4[%mul3A_257, %dma_wait3A_275] : memref<819200x128xf32, #tpu.memory_space<hbm>> -> memref<192x64xf32, #tpu.memory_space<hbm>>
    %dma_wait3A_277 = arith.constant 0 : i32
    %dma_wait3A_278 = arith.constant 0 : i32
    %dma_wait3A_279 = tpu.memref_slice %arg6[%dma_wait3A_268, %dma_wait3A_277, %dma_wait3A_278] : memref<2x416x64xf32, #tpu.memory_space<vmem>> -> memref<1x192x64xf32, #tpu.memory_space<vmem>>
    %dma_wait3A_280 = tpu.memref_squeeze %dma_wait3A_279 : memref<1x192x64xf32, #tpu.memory_space<vmem>> -> memref<192x64xf32, #tpu.memory_space<vmem>>
    tpu.wait_dma2 semaphore(%arg9 : memref<!tpu.dma_semaphore, #tpu.memory_space<semaphore_mem>>) src(%dma_wait3A_280 : memref<192x64xf32, #tpu.memory_space<vmem>>) dst(%dma_wait3A_276 : memref<192x64xf32, #tpu.memory_space<hbm>>)
    %dma_wait3A_281 = arith.constant 1 : i32
    %dma_wait3A_282 = arith.constant 200 : i32
    %dma_wait3A_283 = arith.constant 0 : i32
    %dma_wait3A_284 = tpu.memref_slice %arg6[%dma_wait3A_281, %dma_wait3A_282, %dma_wait3A_283] : memref<2x416x64xf32, #tpu.memory_space<vmem>> -> memref<1x8x64xf32, #tpu.memory_space<vmem>>
    %dma_wait3A_285 = tpu.memref_squeeze %dma_wait3A_284 : memref<1x8x64xf32, #tpu.memory_space<vmem>> -> memref<8x64xf32, #tpu.memory_space<vmem>>
    %dma_wait3A_286 = arith.constant 0 : i32
    %dma_wait3A_287 = tpu.memref_slice %arg4[%add3A_259, %dma_wait3A_286] : memref<819200x128xf32, #tpu.memory_space<hbm>> -> memref<8x64xf32, #tpu.memory_space<hbm>>
    %dma_wait3A_288 = arith.constant 0 : i32
    %dma_wait3A_289 = tpu.memref_slice %arg4[%add3A_259, %dma_wait3A_288] : memref<819200x128xf32, #tpu.memory_space<hbm>> -> memref<8x64xf32, #tpu.memory_space<hbm>>
    %dma_wait3A_290 = arith.constant 200 : i32
    %dma_wait3A_291 = arith.constant 0 : i32
    %dma_wait3A_292 = tpu.memref_slice %arg6[%dma_wait3A_281, %dma_wait3A_290, %dma_wait3A_291] : memref<2x416x64xf32, #tpu.memory_space<vmem>> -> memref<1x8x64xf32, #tpu.memory_space<vmem>>
    %dma_wait3A_293 = tpu.memref_squeeze %dma_wait3A_292 : memref<1x8x64xf32, #tpu.memory_space<vmem>> -> memref<8x64xf32, #tpu.memory_space<vmem>>
    tpu.wait_dma2 semaphore(%arg9 : memref<!tpu.dma_semaphore, #tpu.memory_space<semaphore_mem>>) src(%dma_wait3A_293 : memref<8x64xf32, #tpu.memory_space<vmem>>) dst(%dma_wait3A_289 : memref<8x64xf32, #tpu.memory_space<hbm>>)
    %dma_wait3A_294 = arith.constant 1 : i32
    %dma_wait3A_295 = arith.constant 208 : i32
    %dma_wait3A_296 = arith.constant 0 : i32
    %dma_wait3A_297 = tpu.memref_slice %arg6[%dma_wait3A_294, %dma_wait3A_295, %dma_wait3A_296] : memref<2x416x64xf32, #tpu.memory_space<vmem>> -> memref<1x192x64xf32, #tpu.memory_space<vmem>>
    %dma_wait3A_298 = tpu.memref_squeeze %dma_wait3A_297 : memref<1x192x64xf32, #tpu.memory_space<vmem>> -> memref<192x64xf32, #tpu.memory_space<vmem>>
    %dma_wait3A_299 = arith.constant 0 : i32
    %dma_wait3A_300 = tpu.memref_slice %arg4[%mul3A_265, %dma_wait3A_299] : memref<819200x128xf32, #tpu.memory_space<hbm>> -> memref<192x64xf32, #tpu.memory_space<hbm>>
    %dma_wait3A_301 = arith.constant 0 : i32
    %dma_wait3A_302 = tpu.memref_slice %arg4[%mul3A_265, %dma_wait3A_301] : memref<819200x128xf32, #tpu.memory_space<hbm>> -> memref<192x64xf32, #tpu.memory_space<hbm>>
    %dma_wait3A_303 = arith.constant 208 : i32
    %dma_wait3A_304 = arith.constant 0 : i32
    %dma_wait3A_305 = tpu.memref_slice %arg6[%dma_wait3A_294, %dma_wait3A_303, %dma_wait3A_304] : memref<2x416x64xf32, #tpu.memory_space<vmem>> -> memref<1x192x64xf32, #tpu.memory_space<vmem>>
    %dma_wait3A_306 = tpu.memref_squeeze %dma_wait3A_305 : memref<1x192x64xf32, #tpu.memory_space<vmem>> -> memref<192x64xf32, #tpu.memory_space<vmem>>
    tpu.wait_dma2 semaphore(%arg9 : memref<!tpu.dma_semaphore, #tpu.memory_space<semaphore_mem>>) src(%dma_wait3A_306 : memref<192x64xf32, #tpu.memory_space<vmem>>) dst(%dma_wait3A_302 : memref<192x64xf32, #tpu.memory_space<hbm>>)
    %dma_wait3A_307 = arith.constant 1 : i32
    %dma_wait3A_308 = arith.constant 408 : i32
    %dma_wait3A_309 = arith.constant 0 : i32
    %dma_wait3A_310 = tpu.memref_slice %arg6[%dma_wait3A_307, %dma_wait3A_308, %dma_wait3A_309] : memref<2x416x64xf32, #tpu.memory_space<vmem>> -> memref<1x8x64xf32, #tpu.memory_space<vmem>>
    %dma_wait3A_311 = tpu.memref_squeeze %dma_wait3A_310 : memref<1x8x64xf32, #tpu.memory_space<vmem>> -> memref<8x64xf32, #tpu.memory_space<vmem>>
    %dma_wait3A_312 = arith.constant 0 : i32
    %dma_wait3A_313 = tpu.memref_slice %arg4[%add3A_267, %dma_wait3A_312] : memref<819200x128xf32, #tpu.memory_space<hbm>> -> memref<8x64xf32, #tpu.memory_space<hbm>>
    %dma_wait3A_314 = arith.constant 0 : i32
    %dma_wait3A_315 = tpu.memref_slice %arg4[%add3A_267, %dma_wait3A_314] : memref<819200x128xf32, #tpu.memory_space<hbm>> -> memref<8x64xf32, #tpu.memory_space<hbm>>
    %dma_wait3A_316 = arith.constant 408 : i32
    %dma_wait3A_317 = arith.constant 0 : i32
    %dma_wait3A_318 = tpu.memref_slice %arg6[%dma_wait3A_307, %dma_wait3A_316, %dma_wait3A_317] : memref<2x416x64xf32, #tpu.memory_space<vmem>> -> memref<1x8x64xf32, #tpu.memory_space<vmem>>
    %dma_wait3A_319 = tpu.memref_squeeze %dma_wait3A_318 : memref<1x8x64xf32, #tpu.memory_space<vmem>> -> memref<8x64xf32, #tpu.memory_space<vmem>>
    tpu.wait_dma2 semaphore(%arg9 : memref<!tpu.dma_semaphore, #tpu.memory_space<semaphore_mem>>) src(%dma_wait3A_319 : memref<8x64xf32, #tpu.memory_space<vmem>>) dst(%dma_wait3A_315 : memref<8x64xf32, #tpu.memory_space<hbm>>)
    return
  }
}

</mosaic_0001>

<sc_bundles>
// kernel: kernel.3.cloned.1.call-start
scs
__scs_entry_jumppad:
0x0: {  	(pc) =	sbr.rel $0x88, $3  }
0x1: {  	(tag) =	ssettag $0x0;
	lr =	simm.s32 $0x1  }
0x2: {  	[smem:$0x3F9F] =	sst lr;
	_ =	strace $0xD0000000  }
0x3: {  	_ = 	snop  }
0x4: {  	_ = 	snop  }
0x5: {  	_ = 	snop  }
0x6: {  	_ = 	snop  }
0x7: {  	_ = 	snop  }
__scs_overlays_trampoline_lowered:
0x8: {  	[smem:$0x3FAE] =	sst s0  }
0x9: {  	[smem:$0x3FAF] =	sst s1  }
0xa: {  	[smem:$0x3FB0] =	sst s2  }
0xb: {  	[smem:$0x3FB1] =	sst s3  }
0xc: {  	[smem:$0x3FB2] =	sst s4  }
0xd: {  	[smem:$0x3FB3] =	sst s5  }
0xe: {  	[smem:$0x3FB4] =	sst s6  }
0xf: {  	[smem:$0x3FB5] =	sst s7  }
0x10: {  	[smem:$0x3FB6] =	sst s8  }
0x11: {  	[smem:$0x3FB7] =	sst s9;
	s0 =	simm.s32 @!p0 $0x0  }
0x12: {  	s1 =	sld [smem:$0x3F9D];
	s0 =	simm.s32 @p0 $0x1  }
0x13: {  	[smem:$0x3FB8] =	sst s0;
	s0 =	simm.s32 @!p1 $0x0  }
0x14: {  	s2 =	sld [smem:$0x3F9C];
	s0 =	simm.s32 @p1 $0x1  }
0x15: {  	[smem:$0x3FB9] =	sst s0;
	s0 =	simm.s32 @!p2 $0x0  }
0x16: {  	s3 =	sld [smem:$0x3FDB];
	s0 =	simm.s32 @p2 $0x1  }
0x17: {  	s4 =	simm.s32 $0x1BF5;
	[smem:$0x3FBB] =	sst s0  }
0x18: {  	s0 =	sld [smem:$0x3F9E];
	_ =	swait.ge [sflag:s4], $0x0  }
0x19: {  	s7 =	sld [smem:$0x3F9F]  }
0x1a: {  	s8 =	sadd.s32 $0xFFFFE003, lr  }
0x1b: {  	s9 =	sadd.s32 $0xFFFFFEF7, lr;
	s5 =	simm.s32 $0xFFFFFFFF;
	p2 =	slt.u32 s8, $0xFFFFF086  }
0x1c: {  	p1 =	slt.u32 s9, $0xF7A;
	s5 =	simm.s32 @!p2 $0x0  }
0x1d: {  	s5 =	simm.s32 @p1 $0x1;
	p0 =	seq.s32 s7, s2  }
0x1e: {  	s7 =	smul.u32 @!p0 $0xF7A, s2;
	p2 =	seq.s32 @!p0 s5, $0x0  }
0x1f: {  	s9 =	smul.u32 $0xF7A, s1;
	s8 =	simm.s32 @!p0 $0x1BF5;
	p2 =	por !p2, p0  }
0x20: {  	[sflag:s8] =	ssyncset.s32 @!p0 $0xFFFFF086;
	s6 =	sadd.s32 @!p0 s3, s7;
	s7 =	simm.s32 @!p0 $0x108  }
0x21: {  	s3 =	sadd.s32 s3, s9;
	s6 =	sadd.s32 @!p0 $0x88, s6;
	s7 =	simm.s32 @p2 $0x1082  }
0x22: {  	[simem:s7], [sflag:s8] =	dma.local @!p0 [hbm:s6], $0xF7A  }
0x23: {  	s9 =	sor.u32 $0xD0000000, s2;
	s6 =	simm.s32 $0x108;
	_ =	swait.ge @!p0 [sflag:s8], $0x0  }
0x24: {  	s3 =	sadd.s32 $0x88, s3;
	s6 =	simm.s32 @!p1 $0x1082;
	[sflag:s4] =	ssyncset.s32 $0xFFFFF086  }
0x25: {  	[simem:s6], [sflag:s4] =	dma.local [hbm:s3], $0xF7A  }
0x26: {  	[smem:$0x3F9F] =	sst s1;
	(tag) =	ssettag s2;
	_ =	strace s9  }
0x27: {  	s1 =	sld [smem:$0x3FAF]  }
0x28: {  	s2 =	sld [smem:$0x3FB0]  }
0x29: {  	s4 =	sld [smem:$0x3FB2]  }
0x2a: {  	p0 =	seq.s32 s5, $0x0;
	s5 =	sld [smem:$0x3FB3]  }
0x2b: {  	s6 =	sld [smem:$0x3FB4]  }
0x2c: {  	s7 =	sld [smem:$0x3FB5]  }
0x2d: {  	s3 =	simm.s32 $0x108;
	s8 =	sld [smem:$0x3FB6]  }
0x2e: {  	s3 =	simm.s32 @!p0 $0x1082;
	s9 =	sld [smem:$0x3FB7]  }
0x2f: {  	lr =	sadd.s32 s0, s3;
	s0 =	sld [smem:$0x3FAE]  }
0x30: {  	s3 =	sld [smem:$0x3FB1]  }
0x31: {  	[smem:$0x3FBA] =	sst s10  }
0x32: {  	s10 =	sld [smem:$0x3FB8];
	_ =	sdelay $0x3  }
0x33: {  	p0 =	seq.s32 s10, $0x1;
	s10 =	sld [smem:$0x3FBA];
	_ =	sdelay $0x3  }
0x34: {  	[smem:$0x3FBA] =	sst s10  }
0x35: {  	s10 =	sld [smem:$0x3FB9];
	_ =	sdelay $0x3  }
0x36: {  	p1 =	seq.s32 s10, $0x1;
	s10 =	sld [smem:$0x3FBA];
	_ =	sdelay $0x3  }
0x37: {  	[smem:$0x3FBA] =	sst s10  }
0x38: {  	s10 =	sld [smem:$0x3FBB]  }
0x39: {  	_ = 	snop;
	(pc) =	sbr.ind lr, $3  }
0x3a: {  	_ = 	snop  }
0x3b: {  	_ = 	snop  }
0x3c: {  	p2 =	seq.s32 s10, $0x1;
	s10 =	sld [smem:$0x3FBA]  }
0x3d: {  	_ =	shalt  }
0x3e: {  	_ =	shalt  }
0x3f: {  	_ =	shalt  }
0x40: {  	_ =	shalt  }
0x41: {  	_ =	shalt  }
0x42: {  	_ =	shalt  }
0x43: {  	_ =	shalt  }
0x44: {  	_ =	shalt  }
0x45: {  	_ =	shalt  }
0x46: {  	_ =	shalt  }
0x47: {  	_ =	shalt  }
0x48: {  	_ =	shalt  }
0x49: {  	_ =	shalt  }
0x4a: {  	_ =	shalt  }
0x4b: {  	_ =	shalt  }
0x4c: {  	_ =	shalt  }
0x4d: {  	_ =	shalt  }
0x4e: {  	_ =	shalt  }
0x4f: {  	_ =	shalt  }
0x50: {  	_ =	shalt  }
0x51: {  	_ =	shalt  }
0x52: {  	_ =	shalt  }
0x53: {  	_ =	shalt  }
0x54: {  	_ =	shalt  }
0x55: {  	_ =	shalt  }
0x56: {  	_ =	shalt  }
0x57: {  	_ =	shalt  }
0x58: {  	_ =	shalt  }
0x59: {  	_ =	shalt  }
0x5a: {  	_ =	shalt  }
0x5b: {  	_ =	shalt  }
0x5c: {  	_ =	shalt  }
0x5d: {  	_ =	shalt  }
0x5e: {  	_ =	shalt  }
0x5f: {  	_ =	shalt  }
0x60: {  	_ =	shalt  }
0x61: {  	_ =	shalt  }
0x62: {  	_ =	shalt  }
0x63: {  	_ =	shalt  }
0x64: {  	_ =	shalt  }
0x65: {  	_ =	shalt  }
0x66: {  	_ =	shalt  }
0x67: {  	_ =	shalt  }
0x68: {  	_ =	shalt  }
0x69: {  	_ =	shalt  }
0x6a: {  	_ =	shalt  }
0x6b: {  	_ =	shalt  }
0x6c: {  	_ =	shalt  }
0x6d: {  	_ =	shalt  }
0x6e: {  	_ =	shalt  }
0x6f: {  	_ =	shalt  }
0x70: {  	_ =	shalt  }
0x71: {  	_ =	shalt  }
0x72: {  	_ =	shalt  }
0x73: {  	_ =	shalt  }
0x74: {  	_ =	shalt  }
0x75: {  	_ =	shalt  }
0x76: {  	_ =	shalt  }
0x77: {  	_ =	shalt  }
0x78: {  	_ =	shalt  }
0x79: {  	_ =	shalt  }
0x7a: {  	_ =	shalt  }
0x7b: {  	_ =	shalt  }
0x7c: {  	_ =	shalt  }
0x7d: {  	_ =	shalt  }
0x7e: {  	_ =	shalt  }
0x7f: {  	_ =	shalt  }
0x80: {  	_ =	shalt  }
0x81: {  	_ =	shalt  }
0x82: {  	_ =	shalt  }
0x83: {  	_ =	shalt  }
0x84: {  	_ =	shalt  }
0x85: {  	_ =	shalt  }
0x86: {  	_ =	shalt  }
0x87: {  	_ =	shalt  }
.Lfunc_end0:
.L_simem_size_0:
called_computation.1_lowered:
.L_overlay_start_0:
0x88: {  	s2 =	sld [smem:$0x3FD9]  }
0x89: {  	s3 =	sld [smem:$0x3FFE];
	_ =	sdelay $0x1  }
0x8a: {  	s1 =	srdreg.scid  }
0x8b: {  	s0 =	sand.u32 $0x1, s1  }
0x8c: {  	s14 =	sshll.u32 s0, $0xA;
	s2 =	sadd.s32 s3, s2  }
0x8d: {  	s2 =	sadd.s32 s2, s14  }
0x8e: {  	[smem:$0x3FC6] =	sst s2  }
0x8f: {  	_ = 	snop  }
0x90: {  	s2 =	sld [smem:$0x3FD0];
	_ =	sdelay $0x2  }
0x91: {  	s15 =	simm.s32 $0xA;
	s4 =	simm.s32 $0x10  }
0x92: {  	[smem:s4], [sflag:s15] =	dma.local [hbm:s2], $0x1  }
0x93: {  	_ =	swait.eq [sflag:s15], $0x1  }
0x94: {  	[sflag:s15] =	ssyncset.done $0x0  }
0x95: {  	[sflag:s15] =	ssyncadd.s32 $0xFFFFFFFF  }
0x96: {  	s16 =	sld [smem:$0x10];
	(tm) =	ssettm $0x1  }
0x97: {  	s17 =	sld [smem:$0x3FFB];
	_ =	sdelay $0x3  }
0x98: {  	_ =	strace s17  }
0x99: {  	s3 =	sld [smem:$0x3FFC];
	_ =	sdelay $0x3  }
0x9a: {  	_ =	strace s3  }
0x9b: {  	s3 =	sld [smem:$0x3FFD];
	_ =	sdelay $0x3  }
0x9c: {  	_ =	strace s3  }
0x9d: {  	_ =	strace $0x8FFFFFFF  }
0x9e: {  	s18 =	sld [smem:$0x3FDB];
	_ =	sdelay $0x1  }
0x9f: {  	s19 =	simm.s32 $_scs_section_size  }
0xa0: {  	s5 =	simm.s32 $_size__tile_overlayer_lowered;
	s6 =	simm.s32 $_tile_overlayer_lowered  }
0xa1: {  	s22 =	simm.s32 $0x1BFF;
	s21 =	sshll.u32 s6, $0x1;
	s3 =	sadd.s32 s19, s18  }
0xa2: {  	s7 =	simm.s32 $0x0;
	s20 =	sshll.u32 s5, $0x1;
	s5 =	sadd.s32 s21, s3  }
0xa3: {  	[timem:s7], [sflag:s22] =	dma.local [hbm:s5], s20  }
0xa4: {  	_ =	swait.ge [sflag:s22], s20  }
0xa5: {  	s4 =	ssub.s32 $0x0, s20;
	[sflag:s22] =	ssyncset.done $0x0  }
0xa6: {  	[sflag:s22] =	ssyncadd.s32 s4;
	_ =	sdelay $0x1  }
0xa7: {  	s23 =	simm.s32 $0x1B8B  }
0xa8: {  	_ =	swait.ge [sflag:s23], $0x1  }
0xa9: {  	[sflag:s23] =	ssyncset.done $0x0  }
0xaa: {  	s25 =	simm.s32 $0x1B8E;
	s24 =	sld [smem:$0x3FFE];
	[sflag:s23] =	ssyncadd.s32 $0xFFFFFFFF  }
0xab: {  	s26 =	simm.s32 $execute0_lowered;
	[smem:$0x3FD2] =	sst s25  }
0xac: {  	s5 =	sshll.u32 s26, $0x1;
	_ =	strace $0x80000046;
	[dreg:$0x1] =	wrdreg $0xFFFFFFFF  }
0xad: {  	s28 =	simm.s32 $_size_execute0_lowered;
	s3 =	sadd.s32 s3, s5;
	[dreg:$0x0] =	wrdreg $0x0  }
0xae: {  	s5 =	sshll.u32 s28, $0x1;
	[dreg:$0x2] =	wrdreg s3  }
0xaf: {  	[dreg:$0x3] =	wrdreg s5  }
0xb0: {  	[dreg:$0x4] =	wrdreg $0xC0  }
0xb1: {  	_ =	task [dreg:s7], $0x5FFFF  }
0xb2: {  	[dreg:$0x1] =	wrdreg $0xFFFFFFFF  }
0xb3: {  	[dreg:$0x0] =	wrdreg $0x60  }
0xb4: {  	[dreg:$0x2] =	wrdreg s16  }
0xb5: {  	[dreg:$0x3] =	wrdreg s24  }
0xb6: {  	[dreg:$0x4] =	wrdreg $0x9  }
0xb7: {  	_ =	task.clear_ibuf [dreg:s7], $0x5FFFF;
	_ =	strace $0x90000046  }
0xb8: {  	s29 =	simm.s32 $0x9;
	_ =	strace $0x80000048  }
0xb9: {  	_ =	swait.ge [sflag:s29], $0x1  }
0xba: {  	[sflag:s29] =	ssyncadd.s32 $0xFFFFFFFF  }
0xbb: {  	_ =	strace $0x90000048  }
0xbc: {  	_ =	sfence  }
0xbd: {  	s30 =	sld [smem:$0x0];
	_ =	sdelay $0x2  }
0xbe: {  	s31 =	sshll.u32 s1, $0xD;
	s1 =	sshrl.u32 s1, $0x2  }
0xbf: {  	s3 =	sand.u32 $0x4000, s31;
	s1 =	sadd.s32 s1, s30  }
0xc0: {  	s0 =	sor.u32 s3, s0;
	s1 =	sshll.u32 s1, $0x11  }
0xc1: {  	s0 =	sor.u32 s1, s0  }
0xc2: {  	s0 =	sadd.s32 $0x8F2B, s0  }
0xc3: {  	[sflag:s0] =	ssyncadd.remote.s32 $0x1  }
0xc4: {  	_ =	sfence.sel $0xFFFF  }
0xc5: {  	[dreg:$0x0] =	wrdreg $0xFFFFFFFF;
	(pc) =	sbr.abs _section_cstart, $3  }
0xc6: {  	[dreg:$0x1] =	wrdreg $0xFFFFFFFF  }
0xc7: {  	_ =	task.clear_ibuf [dreg:s7], $0x2FFFF;
	_ =	strace $0x9FFFFFFF  }
0xc8: {  	(tm) =	ssettm $0x7FFFFFFF  }
0xc9: {  	_ =	shalt  }
tec
execute0_lowered:
.L_overlay_start_1:
0x0: {  	(tag) =	ssettag $0x1  }
0x1: {  	s0 =	rddreg [dreg:$0x0];
	s2 =	srdreg.scid  }
0x2: {  	s1 =	rddreg [dreg:$0x1];
	s3 =	stileid.u32;
	s5 =	sand.u32 $0x1, s2  }
0x3: {  	s16 =	simm.s32 $0x4;
	s3 =	sshll.u32 s3, $0x8;
	s4 =	sshll.u32 s5, $0x7  }
0x4: {  	s17 =	simm.s32 $0x1;
	s18 =	simm.s32 $0x40;
	s3 =	sor.u32 s4, s3  }
0x5: {  	s28 =	simm.s32 $0xFE00;
	s29 =	simm.s32 $0x10000;
	s6 =	smul.u32 $0x6400, s3  }
0x6: {  	s30 =	simm.s32 $0x13200;
	s2 =	simm.s32 $0x0;
	s8 =	smul.u32 $0x19, s3  }
0x7: {  	s7 =	ssub.s32 $0x2, s5;
	s5 =	sadd.s32 $0xC00, s1;
	s6 =	sshrl.u32 s6, $0x3  }
0x8: {  	[smem:$0x7FF] =	sst s2;
	s0 =	sadd.s32 s0, s8;
	s20 =	sadd.s32 s5, s6  }
0x9: {  	_ =	strace $0x80000047;
	[dreg:$0x3] =	wrdreg s0;
	s6 =	sadd.s32 $0x60E00, s20  }
0xa: {  	s31 =	simm.s32 $0x0;
	s21 =	sadd.s32 $0x61A00, s20;
	[dreg:$0x4] =	wrdreg s6  }
0xb: {  	s4 =	sadd.s32 $0xF43000, s1;
	s22 =	sadd.s32 $0x61A80, s20;
	[dreg:$0x5] =	wrdreg s21  }
0xc: {  	s19 =	sshrl.u32 s7, $0x1;
	s23 =	sadd.s32 $0x62680, s20;
	[dreg:$0x6] =	wrdreg s22  }
0xd: {  	s1 =	ssub.s32 s7, s19;
	s24 =	sadd.s32 $0x62700, s20;
	[dreg:$0x7] =	wrdreg s23  }
0xe: {  	s19 =	simm.s32 $0x80;
	s25 =	sadd.s32 $0x63300, s20;
	[dreg:$0x8] =	wrdreg s24  }
0xf: {  	s15 =	smax.u32 s1, $0x1;
	s26 =	sadd.s32 $0x63380, s20;
	[dreg:$0x9] =	wrdreg s25  }
0x10: {  	s14 =	sadd.s32 $0x63F80, s20;
	s20 =	simm.s32 $0x6400;
	[dreg:$0xa] =	wrdreg s26  }
0x11: {  	s21 =	simm.s32 $0x9600;
	s22 =	simm.s32 $0x9800;
	s23 =	simm.s32 $0xCA00  }
0x12: {  	vm0 =	vmmov $0xffff;
	s24 =	simm.s32 $0x3;
	s25 =	simm.s32 $0x2;
	s26 =	simm.s32 $0xCC00  }
.LBB2_1:
0x13: {  	s0 =	rddreg [dreg:$0x3]  }
0x14: {  	[tilespmem:s2], [sflag:$0x4] =	stream.linear.gather [hbm4b:s0+s2], $0x6400, $0x38;
	[tilespmem:$0x13400] =	vst v63  }
0x15: {  	p0 =	por $0x1, $0x1;
	s0 =	simm.s32 $0xFFFFFF30  }
0x16: {  	s6 =	simm.s32 $0xC8;
	_ =	swait.ge [sflag:s16], $0x6400;
	s0 =	smov.u32 @p0 s2  }
0x17: {  	p0 =	por $0x0, $0x0;
	p1 =	slt.s32 s0, $0xB8;
	s1 =	smov.u32 s0  }
0x18: {  	[sflag:s16] =	ssyncset.done $0x0;
	s6 =	simm.s32 @!p0 $0x0;
	s1 =	simm.s32 @!p1 $0xB8  }
0x19: {  	[sflag:s16] =	ssyncadd.s32 $0xFFFF9C00;
	s7 =	sadd.s32 s1, s6  }
0x1a: {  	s8 =	simm.s32 $0xD0;
	v0 =	vld [tilespmem:s7+$0x0]  }
0x1b: {  	p2 =	por $0x1, $0x1;
	p1 =	por p0, p0;
	p0 =	por $0x0, $0x0  }
0x1c: {  	s6 =	simm.s32 $0x10;
	s1 =	simm.s32 $0xFFFFFF40;
	s8 =	simm.s32 @!p1 $0x0  }
0x1d: {  	s1 =	smov.u32 @p2 s6;
	s7 =	simm.s32 $0x2;
	s8 =	sadd.s32 s8, s0  }
.LBB2_2:
0x1e: {  	p1 =	sne.s32 s7, $0x19;
	p2 =	slt.s32 s1, $0xB8  }
0x1f: {  	s0 =	sshll.u32 s8, $0x6;
	s8 =	smov.u32 s1;
	s9 =	simm.s32 $0xC8  }
0x20: {  	s8 =	simm.s32 @!p2 $0xB8;
	s9 =	simm.s32 @!p0 $0x0;
	s0 =	sand.u32 $0x3FFFFFC0, s0  }
0x21: {  	s8 =	sadd.s32 s8, s9;
	s9 =	sadd.s32 $0x6400, s0;
	s0 =	simm.s32 $0x0  }
0x22: {  	[tilespmem:s9], [sflag:$0x1] =	stream.indirect_vreg.gather [hbm4b:s4+s0], $0x40, v0, vm0, $0xb8;
	[tilespmem:$0x13400] =	vst v63  }
.Ltmp0:
0x23: {  	p2 =	por p0, p0;
	v0 =	vld [tilespmem:s8+$0x0];
	(pc) =	sbr.rel @p1 .LBB2_2-.Ltmp0, $4  }
0x24: {  	s6 =	sadd.s32 $0x10, s6;
	s8 =	simm.s32 $0xD0  }
0x25: {  	p0 =	sgt.u32 s7, $0xC;
	s9 =	sadd.s32 $0xFFFFFF30, s6;
	s8 =	simm.s32 @!p2 $0x0  }
0x26: {  	p3 =	slt.u32 s7, $0xD;
	s8 =	sadd.s32 s8, s1;
	s1 =	smov.u32 s9  }
0x27: {  	s7 =	sadd.s32 $0x1, s7;
	s1 =	smov.u32 @p3 s6  }
0x28: {  	p1 =	slt.s32 s1, $0xB8  }
0x29: {  	s6 =	sshll.u32 s8, $0x6;
	s7 =	smov.u32 s1;
	s8 =	simm.s32 $0xC8  }
0x2a: {  	s7 =	simm.s32 @!p1 $0xB8;
	s8 =	simm.s32 @!p0 $0x0;
	s6 =	sand.u32 $0x3FFFFFC0, s6  }
0x2b: {  	s7 =	sadd.s32 s7, s8;
	s6 =	sadd.s32 $0x6400, s6  }
0x2c: {  	[tilespmem:s6], [sflag:$0x1] =	stream.indirect_vreg.gather [hbm4b:s4+s0], $0x40, v0, vm0, $0xb8;
	[tilespmem:$0x13400] =	vst v63  }
0x2d: {  	v0 =	vld [tilespmem:s7+$0x0];
	_ =	sdelay $0x1  }
0x2e: {  	p0 =	por p0, p0;
	s6 =	simm.s32 $0xD0  }
0x2f: {  	s6 =	simm.s32 @!p0 $0x0  }
0x30: {  	s12 =	sadd.s32 s6, s1  }
0x31: {  	s1 =	sshll.u32 s12, $0x6  }
0x32: {  	s8 =	simm.s32 $0xFFFFFF30;
	p0 =	por $0x1, $0x1;
	s1 =	sand.u32 $0x3FFFFFC0, s1  }
0x33: {  	s8 =	smov.u32 @p0 s0;
	p0 =	por $0x0, $0x0;
	s1 =	sadd.s32 $0x6400, s1  }
0x34: {  	[tilespmem:s1], [sflag:$0x1] =	stream.indirect_vreg.gather [hbm4b:s4+s0], $0x40, v0, vm0, $0xb8;
	[tilespmem:$0x13400] =	vst v63  }
0x35: {  	s6 =	simm.s32 $0x258;
	p1 =	slt.s32 s8, $0xB8;
	s1 =	smov.u32 s8  }
0x36: {  	s6 =	simm.s32 @!p0 $0x190;
	s1 =	simm.s32 @!p1 $0xB8  }
0x37: {  	s13 =	sadd.s32 s1, s6  }
0x38: {  	s9 =	simm.s32 $0xD0;
	v0 =	vld [tilespmem:s13+$0x0]  }
0x39: {  	p2 =	por $0x1, $0x1;
	s7 =	simm.s32 $0x2;
	p1 =	por p0, p0  }
0x3a: {  	s6 =	simm.s32 $0x10;
	s1 =	simm.s32 $0xFFFFFF40;
	s9 =	simm.s32 @!p1 $0x0  }
0x3b: {  	p0 =	por $0x0, $0x0;
	s1 =	smov.u32 @p2 s6;
	s8 =	sadd.s32 s9, s8  }
.LBB2_4:
0x3c: {  	p1 =	sne.s32 s7, $0x19;
	p2 =	slt.s32 s1, $0xB8  }
0x3d: {  	s8 =	sshll.u32 s8, $0x6;
	s9 =	smov.u32 s1;
	s10 =	simm.s32 $0x258  }
0x3e: {  	s9 =	simm.s32 @!p2 $0xB8;
	s10 =	simm.s32 @!p0 $0x190;
	s8 =	sand.u32 $0x3FFFFFC0, s8  }
0x3f: {  	p2 =	por p0, p0;
	s9 =	sadd.s32 s9, s10;
	s8 =	sadd.s32 $0xCC00, s8  }
0x40: {  	[tilespmem:s8], [sflag:$0x2] =	stream.indirect_vreg.gather [hbm4b:s4+s0], $0x40, v0, vm0, $0xb8;
	[tilespmem:$0x13400] =	vst v63  }
.Ltmp1:
0x41: {  	v0 =	vld [tilespmem:s9+$0x0];
	(pc) =	sbr.rel @p1 .LBB2_4-.Ltmp1, $4  }
0x42: {  	s6 =	sadd.s32 $0x10, s6;
	s8 =	simm.s32 $0xD0  }
0x43: {  	p0 =	sgt.u32 s7, $0xC;
	s9 =	sadd.s32 $0xFFFFFF30, s6;
	s8 =	simm.s32 @!p2 $0x0  }
0x44: {  	p3 =	slt.u32 s7, $0xD;
	s8 =	sadd.s32 s8, s1;
	s1 =	smov.u32 s9  }
0x45: {  	s7 =	sadd.s32 $0x1, s7;
	s1 =	smov.u32 @p3 s6  }
0x46: {  	p1 =	slt.s32 s1, $0xB8  }
0x47: {  	s6 =	sshll.u32 s8, $0x6;
	s7 =	smov.u32 s1;
	s8 =	simm.s32 $0x258  }
0x48: {  	s7 =	simm.s32 @!p1 $0xB8;
	s8 =	simm.s32 @!p0 $0x190;
	s6 =	sand.u32 $0x3FFFFFC0, s6  }
0x49: {  	s7 =	sadd.s32 s7, s8;
	s6 =	sadd.s32 $0xCC00, s6  }
0x4a: {  	[tilespmem:s6], [sflag:$0x2] =	stream.indirect_vreg.gather [hbm4b:s4+s0], $0x40, v0, vm0, $0xb8;
	[tilespmem:$0x13400] =	vst v63  }
0x4b: {  	v0 =	vld [tilespmem:s7+$0x0];
	_ =	sdelay $0x1  }
0x4c: {  	p0 =	por p0, p0;
	s6 =	simm.s32 $0xD0  }
0x4d: {  	s6 =	simm.s32 @!p0 $0x0  }
0x4e: {  	s13 =	sadd.s32 s6, s1  }
0x4f: {  	s1 =	sshll.u32 s13, $0x6  }
0x50: {  	s1 =	sand.u32 $0x3FFFFFC0, s1  }
0x51: {  	s1 =	sadd.s32 $0xCC00, s1  }
0x52: {  	[tilespmem:s1], [sflag:$0x2] =	stream.indirect_vreg.gather [hbm4b:s4+s0], $0x40, v0, vm0, $0xb8;
	[tilespmem:$0x13400] =	vst v63  }
.LBB2_6:
0x53: {  	s1 =	sshll.u32 s0, $0x2  }
0x54: {  	s6 =	sor.u32 s3, s1  }
0x55: {  	s7 =	smul.u32 $0xC80, s6  }
0x56: {  	_ =	swait.ge [sflag:s17], $0x6800;
	s8 =	smul.u32 $0x6400, s6  }
0x57: {  	[sflag:s17] =	ssyncset.done $0x0  }
0x58: {  	[sflag:s17] =	ssyncadd.s32 $0xFFFF9800;
	s7 =	sadd.s32 s5, s7;
	s11 =	sshrl.u32 s8, $0x3  }
0x59: {  	[hbm4b:s7+s18] =	stream.strided.scatter [tilespmem:s20], [sflag:$0x3], $0x3000, s19, s18, $0x38;
	[tilespmem:$0x13400] =	vst v63  }
0x5a: {  	s7 =	sadd.s32 s5, s11  }
0x5b: {  	s12 =	sadd.s32 $0xC00, s7  }
0x5c: {  	[hbm4b:s12+s18] =	stream.strided.scatter [tilespmem:s21], [sflag:$0x3], $0x200, s19, s18, $0x38;
	[tilespmem:$0x13400] =	vst v63  }
0x5d: {  	s13 =	sadd.s32 $0xC80, s7  }
0x5e: {  	[hbm4b:s13+s18] =	stream.strided.scatter [tilespmem:s22], [sflag:$0x3], $0x3000, s19, s18, $0x38;
	[tilespmem:$0x13400] =	vst v63  }
0x5f: {  	s7 =	sadd.s32 $0x1880, s7  }
0x60: {  	[hbm4b:s7+s18] =	stream.strided.scatter [tilespmem:s23], [sflag:$0x3], $0x200, s19, s18, $0x38;
	[tilespmem:$0x13400] =	vst v63  }
0x61: {  	_ =	swait.ge [sflag:s24], $0x3000  }
0x62: {  	[sflag:s24] =	ssyncset.done $0x0  }
0x63: {  	[sflag:s24] =	ssyncadd.s32 $0xFFFFD000  }
0x64: {  	p0 =	por $0x0, $0x0;
	s9 =	simm.s32 $0x1;
	_ =	swait.ge [sflag:s24], $0x200  }
0x65: {  	s10 =	simm.s32 $0x0;
	p1 =	por $0x1, $0x1;
	[sflag:s24] =	ssyncset.done $0x0  }
0x66: {  	p2 =	por $0x1, $0x1;
	s9 =	simm.s32 @!p0 $0x0;
	[sflag:s24] =	ssyncadd.s32 $0xFFFFFE00  }
0x67: {  	p3 =	por p0, p0;
	s7 =	sadd.s32 $0x4, s1;
	_ =	swait.ge [sflag:s24], $0x3000  }
0x68: {  	s8 =	simm.s32 $0xFFFFFF30;
	s9 =	sor.u32 s9, s7;
	[sflag:s24] =	ssyncset.done $0x0  }
0x69: {  	s8 =	smov.u32 @p1 s10;
	s9 =	smul.u32 $0x320, s9;
	[sflag:s24] =	ssyncadd.s32 $0xFFFFD000  }
0x6a: {  	p1 =	slt.s32 s8, $0xB8;
	s10 =	smov.u32 s8;
	_ =	swait.ge [sflag:s24], $0x200  }
0x6b: {  	s10 =	simm.s32 @!p1 $0xB8;
	s9 =	sshra.s32 s9, $0x2;
	[sflag:s24] =	ssyncset.done $0x0  }
0x6c: {  	s11 =	simm.s32 $0xD0;
	s10 =	sadd.s32 s10, s9;
	[sflag:s24] =	ssyncadd.s32 $0xFFFFFE00  }
0x6d: {  	p0 =	por $0x0, $0x0;
	s11 =	simm.s32 @!p3 $0x0;
	s12 =	simm.s32 $0x1;
	v0 =	vld [tilespmem:s10+$0x0]  }
0x6e: {  	s12 =	simm.s32 @!p0 $0x0;
	s9 =	simm.s32 $0x10;
	s10 =	simm.s32 $0x2  }
.LBB2_7:
0x6f: {  	p1 =	sne.s32 s10, $0x19;
	s13 =	sadd.s32 $0xFFFFFF30, s9  }
0x70: {  	s12 =	sor.u32 s12, s7;
	s11 =	sadd.s32 s11, s8;
	s8 =	smov.u32 s13  }
0x71: {  	p3 =	por p0, p0;
	s12 =	smul.u32 $0x320, s12;
	s8 =	smov.u32 @p2 s9  }
0x72: {  	s11 =	sshll.u32 s11, $0x6;
	p2 =	slt.s32 s8, $0xB8;
	s13 =	smov.u32 s8  }
0x73: {  	s11 =	sand.u32 $0x3FFFFFC0, s11;
	s12 =	sshra.s32 s12, $0x2;
	s13 =	simm.s32 @!p2 $0xB8  }
.Ltmp2:
0x74: {  	s11 =	sadd.s32 $0x6400, s11;
	s12 =	sadd.s32 s13, s12;
	(pc) =	sbr.rel @p1 .LBB2_7-.Ltmp2, $4  }
0x75: {  	[tilespmem:s11], [sflag:$0x1] =	stream.indirect_vreg.gather [hbm4b:s4+s2], $0x40, v0, vm0, $0xb8;
	[tilespmem:$0x13400] =	vst v63  }
0x76: {  	p0 =	sgt.u32 s10, $0xC;
	s9 =	sadd.s32 $0x10, s9;
	v0 =	vld [tilespmem:s12+$0x0]  }
0x77: {  	p2 =	slt.u32 s10, $0xD;
	s11 =	simm.s32 $0xD0;
	s12 =	simm.s32 $0x1  }
0x78: {  	s10 =	sadd.s32 $0x1, s10;
	s11 =	simm.s32 @!p3 $0x0;
	s12 =	simm.s32 @!p0 $0x0  }
0x79: {  	_ = 	snop  }
0x7a: {  	s10 =	sadd.s32 $0xFFFFFF30, s9;
	s7 =	sor.u32 s12, s7  }
0x7b: {  	s8 =	sadd.s32 s11, s8;
	s10 =	smov.u32 @p2 s9;
	s7 =	smul.u32 $0x320, s7  }
0x7c: {  	s8 =	sshll.u32 s8, $0x6;
	p1 =	slt.s32 s10, $0xB8;
	s9 =	smov.u32 s10  }
0x7d: {  	s8 =	sand.u32 $0x3FFFFFC0, s8;
	s9 =	simm.s32 @!p1 $0xB8;
	s7 =	sshra.s32 s7, $0x2  }
0x7e: {  	s8 =	sadd.s32 $0x6400, s8;
	s7 =	sadd.s32 s9, s7  }
0x7f: {  	[tilespmem:s8], [sflag:$0x1] =	stream.indirect_vreg.gather [hbm4b:s4+s2], $0x40, v0, vm0, $0xb8;
	[tilespmem:$0x13400] =	vst v63  }
0x80: {  	v0 =	vld [tilespmem:s7+$0x0];
	_ =	sdelay $0x1  }
0x81: {  	p0 =	por p0, p0;
	s7 =	simm.s32 $0xD0  }
0x82: {  	s7 =	simm.s32 @!p0 $0x0  }
0x83: {  	s7 =	sadd.s32 s7, s10  }
0x84: {  	s6 =	sor.u32 $0x2, s6;
	s7 =	sshll.u32 s7, $0x6  }
0x85: {  	s11 =	smul.u32 $0xC80, s6;
	s7 =	sand.u32 $0x3FFFFFC0, s7  }
0x86: {  	s6 =	smul.u32 $0x6400, s6;
	s7 =	sadd.s32 $0x6400, s7  }
0x87: {  	[tilespmem:s7], [sflag:$0x1] =	stream.indirect_vreg.gather [hbm4b:s4+s2], $0x40, v0, vm0, $0xb8;
	[tilespmem:$0x13400] =	vst v63  }
0x88: {  	_ =	swait.ge [sflag:s25], $0x6800  }
0x89: {  	s6 =	sshrl.u32 s6, $0x3;
	[sflag:s25] =	ssyncset.done $0x0  }
0x8a: {  	s6 =	sadd.s32 s5, s6;
	s7 =	sadd.s32 s5, s11;
	[sflag:s25] =	ssyncadd.s32 $0xFFFF9800  }
0x8b: {  	[hbm4b:s7+s18] =	stream.strided.scatter [tilespmem:s26], [sflag:$0x3], $0x3000, s19, s18, $0x38;
	[tilespmem:$0x13400] =	vst v63  }
0x8c: {  	s12 =	sadd.s32 $0xC00, s6  }
0x8d: {  	[hbm4b:s12+s18] =	stream.strided.scatter [tilespmem:s28], [sflag:$0x3], $0x200, s19, s18, $0x38;
	[tilespmem:$0x13400] =	vst v63  }
0x8e: {  	s13 =	sadd.s32 $0xC80, s6  }
0x8f: {  	[hbm4b:s13+s18] =	stream.strided.scatter [tilespmem:s29], [sflag:$0x3], $0x3000, s19, s18, $0x38;
	[tilespmem:$0x13400] =	vst v63  }
0x90: {  	s6 =	sadd.s32 $0x1880, s6  }
0x91: {  	[hbm4b:s6+s18] =	stream.strided.scatter [tilespmem:s30], [sflag:$0x3], $0x200, s19, s18, $0x38;
	[tilespmem:$0x13400] =	vst v63  }
0x92: {  	_ =	swait.ge [sflag:s24], $0x3000  }
0x93: {  	[sflag:s24] =	ssyncset.done $0x0  }
0x94: {  	[sflag:s24] =	ssyncadd.s32 $0xFFFFD000  }
0x95: {  	s1 =	sadd.s32 $0x6, s1;
	p2 =	por $0x1, $0x1;
	_ =	swait.ge [sflag:s24], $0x200  }
0x96: {  	p1 =	por $0x1, $0x1;
	s8 =	simm.s32 $0x0;
	[sflag:s24] =	ssyncset.done $0x0  }
0x97: {  	p0 =	por $0x0, $0x0;
	s7 =	simm.s32 $0x1;
	[sflag:s24] =	ssyncadd.s32 $0xFFFFFE00  }
0x98: {  	s9 =	simm.s32 $0xD0;
	s7 =	simm.s32 @!p0 $0x0;
	_ =	swait.ge [sflag:s24], $0x3000  }
0x99: {  	s7 =	sor.u32 s7, s1;
	s6 =	simm.s32 $0xFFFFFF30;
	[sflag:s24] =	ssyncset.done $0x0  }
0x9a: {  	s7 =	smul.u32 $0x320, s7;
	s6 =	smov.u32 @p1 s8;
	[sflag:s24] =	ssyncadd.s32 $0xFFFFD000  }
0x9b: {  	p1 =	slt.s32 s6, $0xB8;
	s8 =	smov.u32 s6;
	_ =	swait.ge [sflag:s24], $0x200  }
0x9c: {  	s7 =	sshra.s32 s7, $0x2;
	s8 =	simm.s32 @!p1 $0xB8;
	[sflag:s24] =	ssyncset.done $0x0  }
0x9d: {  	p3 =	por p0, p0;
	s8 =	sadd.s32 s8, s7;
	[sflag:s24] =	ssyncadd.s32 $0xFFFFFE00  }
0x9e: {  	s10 =	simm.s32 $0x1;
	s9 =	simm.s32 @!p3 $0x0;
	p0 =	por $0x0, $0x0;
	v0 =	vld [tilespmem:s8+$0x0]  }
0x9f: {  	s10 =	simm.s32 @!p0 $0x0;
	s7 =	simm.s32 $0x10;
	s8 =	simm.s32 $0x2  }
.LBB2_9:
0xa0: {  	p1 =	sne.s32 s8, $0x19;
	s11 =	sadd.s32 $0xFFFFFF30, s7  }
0xa1: {  	s10 =	sor.u32 s10, s1;
	s9 =	sadd.s32 s9, s6;
	s6 =	smov.u32 s11  }
0xa2: {  	p3 =	por p0, p0;
	s10 =	smul.u32 $0x320, s10;
	s6 =	smov.u32 @p2 s7  }
0xa3: {  	s9 =	sshll.u32 s9, $0x6;
	p2 =	slt.s32 s6, $0xB8;
	s11 =	smov.u32 s6  }
0xa4: {  	s9 =	sand.u32 $0x3FFFFFC0, s9;
	s10 =	sshra.s32 s10, $0x2;
	s11 =	simm.s32 @!p2 $0xB8  }
.Ltmp3:
0xa5: {  	s9 =	sadd.s32 $0xCC00, s9;
	s10 =	sadd.s32 s11, s10;
	(pc) =	sbr.rel @p1 .LBB2_9-.Ltmp3, $4  }
0xa6: {  	[tilespmem:s9], [sflag:$0x2] =	stream.indirect_vreg.gather [hbm4b:s4+s2], $0x40, v0, vm0, $0xb8;
	[tilespmem:$0x13400] =	vst v63  }
0xa7: {  	p0 =	sgt.u32 s8, $0xC;
	s7 =	sadd.s32 $0x10, s7;
	v0 =	vld [tilespmem:s10+$0x0]  }
0xa8: {  	p2 =	slt.u32 s8, $0xD;
	s9 =	simm.s32 $0xD0;
	s10 =	simm.s32 $0x1  }
0xa9: {  	s8 =	sadd.s32 $0x1, s8;
	s9 =	simm.s32 @!p3 $0x0;
	s10 =	simm.s32 @!p0 $0x0  }
0xaa: {  	_ = 	snop  }
0xab: {  	s8 =	sadd.s32 $0xFFFFFF30, s7;
	s1 =	sor.u32 s10, s1  }
0xac: {  	s6 =	sadd.s32 s9, s6;
	s8 =	smov.u32 @p2 s7;
	s1 =	smul.u32 $0x320, s1  }
0xad: {  	s6 =	sshll.u32 s6, $0x6;
	p1 =	slt.s32 s8, $0xB8;
	s7 =	smov.u32 s8  }
0xae: {  	s6 =	sand.u32 $0x3FFFFFC0, s6;
	s7 =	simm.s32 @!p1 $0xB8;
	s1 =	sshra.s32 s1, $0x2  }
0xaf: {  	s6 =	sadd.s32 $0xCC00, s6;
	s1 =	sadd.s32 s7, s1  }
0xb0: {  	[tilespmem:s6], [sflag:$0x2] =	stream.indirect_vreg.gather [hbm4b:s4+s2], $0x40, v0, vm0, $0xb8;
	[tilespmem:$0x13400] =	vst v63  }
0xb1: {  	v0 =	vld [tilespmem:s1+$0x0];
	_ =	sdelay $0x1  }
0xb2: {  	p0 =	por p0, p0;
	s0 =	sadd.s32 $0x1, s0;
	s1 =	simm.s32 $0xD0  }
0xb3: {  	s1 =	simm.s32 @!p0 $0x0;
	p0 =	sne.s32 s0, $0x1F  }
.Ltmp4:
0xb4: {  	s1 =	sadd.s32 s1, s8;
	(pc) =	sbr.rel @p0 .LBB2_6-.Ltmp4, $4  }
0xb5: {  	s1 =	sshll.u32 s1, $0x6  }
0xb6: {  	s1 =	sand.u32 $0x3FFFFFC0, s1  }
0xb7: {  	s1 =	sadd.s32 $0xCC00, s1  }
0xb8: {  	[tilespmem:s1], [sflag:$0x2] =	stream.indirect_vreg.gather [hbm4b:s4+s2], $0x40, v0, vm0, $0xb8;
	[tilespmem:$0x13400] =	vst v63  }
0xb9: {  	_ =	swait.ge [sflag:s17], $0x6800  }
0xba: {  	[sflag:s17] =	ssyncset.done $0x0  }
0xbb: {  	s0 =	rddreg [dreg:$0x4];
	[sflag:s17] =	ssyncadd.s32 $0xFFFF9800  }
0xbc: {  	[hbm4b:s0+s18] =	stream.strided.scatter [tilespmem:s20], [sflag:$0x3], $0x3000, s19, s18, $0x38;
	[tilespmem:$0x13400] =	vst v63  }
0xbd: {  	s8 =	rddreg [dreg:$0x5]  }
0xbe: {  	[hbm4b:s8+s18] =	stream.strided.scatter [tilespmem:s21], [sflag:$0x3], $0x200, s19, s18, $0x38;
	[tilespmem:$0x13400] =	vst v63  }
0xbf: {  	s9 =	rddreg [dreg:$0x6]  }
0xc0: {  	[hbm4b:s9+s18] =	stream.strided.scatter [tilespmem:s22], [sflag:$0x3], $0x3000, s19, s18, $0x38;
	[tilespmem:$0x13400] =	vst v63  }
0xc1: {  	s10 =	rddreg [dreg:$0x7]  }
0xc2: {  	[hbm4b:s10+s18] =	stream.strided.scatter [tilespmem:s23], [sflag:$0x3], $0x200, s19, s18, $0x38;
	[tilespmem:$0x13400] =	vst v63  }
0xc3: {  	_ =	swait.ge [sflag:s24], $0x3000  }
0xc4: {  	[sflag:s24] =	ssyncset.done $0x0  }
0xc5: {  	[sflag:s24] =	ssyncadd.s32 $0xFFFFD000  }
0xc6: {  	_ =	swait.ge [sflag:s24], $0x200  }
0xc7: {  	[sflag:s24] =	ssyncset.done $0x0  }
0xc8: {  	[sflag:s24] =	ssyncadd.s32 $0xFFFFFE00  }
0xc9: {  	_ =	swait.ge [sflag:s24], $0x3000  }
0xca: {  	[sflag:s24] =	ssyncset.done $0x0  }
0xcb: {  	[sflag:s24] =	ssyncadd.s32 $0xFFFFD000  }
0xcc: {  	_ =	swait.ge [sflag:s24], $0x200  }
0xcd: {  	[sflag:s24] =	ssyncset.done $0x0  }
0xce: {  	[sflag:s24] =	ssyncadd.s32 $0xFFFFFE00  }
0xcf: {  	_ =	swait.ge [sflag:s25], $0x6800  }
0xd0: {  	[sflag:s25] =	ssyncset.done $0x0  }
0xd1: {  	s11 =	rddreg [dreg:$0x8];
	[sflag:s25] =	ssyncadd.s32 $0xFFFF9800  }
0xd2: {  	[hbm4b:s11+s18] =	stream.strided.scatter [tilespmem:s26], [sflag:$0x3], $0x3000, s19, s18, $0x38;
	[tilespmem:$0x13400] =	vst v63  }
0xd3: {  	s12 =	rddreg [dreg:$0x9]  }
0xd4: {  	[hbm4b:s12+s18] =	stream.strided.scatter [tilespmem:s28], [sflag:$0x3], $0x200, s19, s18, $0x38;
	[tilespmem:$0x13400] =	vst v63  }
0xd5: {  	s13 =	rddreg [dreg:$0xa]  }
0xd6: {  	[hbm4b:s13+s18] =	stream.strided.scatter [tilespmem:s29], [sflag:$0x3], $0x3000, s19, s18, $0x38;
	[tilespmem:$0x13400] =	vst v63  }
0xd7: {  	_ = 	snop  }
0xd8: {  	[hbm4b:s14+s18] =	stream.strided.scatter [tilespmem:s30], [sflag:$0x3], $0x200, s19, s18, $0x38;
	[tilespmem:$0x13400] =	vst v63  }
0xd9: {  	_ =	swait.ge [sflag:s24], $0x3000  }
0xda: {  	[sflag:s24] =	ssyncset.done $0x0  }
0xdb: {  	[sflag:s24] =	ssyncadd.s32 $0xFFFFD000  }
0xdc: {  	_ =	swait.ge [sflag:s24], $0x200  }
0xdd: {  	[sflag:s24] =	ssyncset.done $0x0  }
0xde: {  	s31 =	sadd.s32 $0x1, s31;
	[sflag:s24] =	ssyncadd.s32 $0xFFFFFE00  }
0xdf: {  	p0 =	sne.s32 s31, s15;
	_ =	swait.ge [sflag:s24], $0x3000  }
.Ltmp5:
0xe0: {  	[sflag:s24] =	ssyncset.done $0x0;
	(pc) =	sbr.rel @p0 .LBB2_1-.Ltmp5, $4  }
0xe1: {  	[sflag:s24] =	ssyncadd.s32 $0xFFFFD000  }
0xe2: {  	_ =	swait.ge [sflag:s24], $0x200  }
0xe3: {  	[sflag:s24] =	ssyncset.done $0x0  }
0xe4: {  	[sflag:s24] =	ssyncadd.s32 $0xFFFFFE00  }
0xe5: {  	_ =	sfence.sel $0x180000  }
0xe6: {  	[bflag:$0x0] =	sbarrier.arrive $0xFFFF  }
0xe7: {  	_ =	strace $0x90000047  }
0xe8: {  	s0 =	stileid.u32;
	[bflag:$0x2] =	sbarrier.arrive $0xFFFF  }
0xe9: {  	p0 =	sne.s32 s0, $0x0;
	s0 =	rddreg [dreg:$0x2]  }
0xea: {  	s0 =	sadd.s32 @!p0 $0x100000, s0  }
0xeb: {  	[sflag:s0] =	ssyncadd.tile.s32 @!p0 $0x1;
	_ =	shalt  }
.Lfunc_end2:
_tile_overlayer_lowered:
.L_overlay_start_2:
0xec: {  	(tag) =	ssettag $0x2  }
0xed: {  	s0 =	rddreg [dreg:$0x0];
	s2 =	stileid.u32  }
0xee: {  	s1 =	rddreg [dreg:$0x1];
	p0 =	sne.s32 s2, $0x0  }
0xef: {  	s3 =	rddreg [dreg:$0x2];
	[bflag:$0x3] =	sbarrier.arrive $0xFFFF;
	s2 =	simm.s32 @!p0 $0x1C04  }
0xf0: {  	[timem:s3], [sflag:s2] =	dma.local @!p0 [hbm:s0], s1  }
0xf1: {  	s0 =	simm.s32 @!p0 $0x4  }
0xf2: {  	_ =	swait.ge @!p0 [sflag:s0], s1  }
0xf3: {  	s1 =	ssub.s32 @!p0 $0x0, s1;
	[sflag:s0] =	ssyncset.done @!p0 $0x0  }
0xf4: {  	[sflag:s0] =	ssyncadd.s32 @!p0 s1  }
0xf5: {  	[bflag:$0x3] =	sbarrier.arrive $0xFFFF  }
0xf6: {  	_ =	shalt  }

// kernel: sparse-core-data-format-call.cloned.1.call-start
scs
called_computation_lowered:
.L_overlay_start_0:
0x0: {  	s2 =	sld [smem:$0x3FD9]  }
0x1: {  	s3 =	sld [smem:$0x3FFE];
	_ =	sdelay $0x1  }
0x2: {  	s1 =	srdreg.scid  }
0x3: {  	s0 =	sand.u32 $0x1, s1  }
0x4: {  	s15 =	sshll.u32 s0, $0xA;
	s2 =	sadd.s32 s3, s2  }
0x5: {  	s2 =	sadd.s32 s2, s15  }
0x6: {  	[smem:$0x3FC6] =	sst s2  }
0x7: {  	_ = 	snop  }
0x8: {  	s2 =	sld [smem:$0x3FD0];
	_ =	sdelay $0x2  }
0x9: {  	s16 =	simm.s32 $0xA;
	s4 =	simm.s32 $0x10  }
0xa: {  	[smem:s4], [sflag:s16] =	dma.local [hbm:s2], $0x1  }
0xb: {  	_ =	swait.eq [sflag:s16], $0x1  }
0xc: {  	[sflag:s16] =	ssyncset.done $0x0  }
0xd: {  	[sflag:s16] =	ssyncadd.s32 $0xFFFFFFFF  }
0xe: {  	s17 =	sld [smem:$0x10];
	(tm) =	ssettm $0x1  }
0xf: {  	s18 =	sld [smem:$0x3FFB];
	_ =	sdelay $0x3  }
0x10: {  	_ =	strace s18  }
0x11: {  	s3 =	sld [smem:$0x3FFC];
	_ =	sdelay $0x3  }
0x12: {  	_ =	strace s3  }
0x13: {  	s3 =	sld [smem:$0x3FFD];
	_ =	sdelay $0x3  }
0x14: {  	_ =	strace s3  }
0x15: {  	_ =	strace $0x8FFFFFFF  }
0x16: {  	s19 =	sld [smem:$0x3FDB];
	_ =	sdelay $0x1  }
0x17: {  	s20 =	simm.s32 $_scs_section_size  }
0x18: {  	s5 =	simm.s32 $_size__tile_overlayer_lowered;
	s6 =	simm.s32 $_tile_overlayer_lowered  }
0x19: {  	s23 =	simm.s32 $0x1BFF;
	s22 =	sshll.u32 s6, $0x1;
	s3 =	sadd.s32 s20, s19  }
0x1a: {  	s7 =	simm.s32 $0x0;
	s21 =	sshll.u32 s5, $0x1;
	s5 =	sadd.s32 s22, s3  }
0x1b: {  	[timem:s7], [sflag:s23] =	dma.local [hbm:s5], s21  }
0x1c: {  	_ =	swait.ge [sflag:s23], s21  }
0x1d: {  	s4 =	ssub.s32 $0x0, s21;
	[sflag:s23] =	ssyncset.done $0x0  }
0x1e: {  	[sflag:s23] =	ssyncadd.s32 s4;
	_ =	sdelay $0x1  }
0x1f: {  	s24 =	simm.s32 $0x1B8B  }
0x20: {  	_ =	swait.ge [sflag:s24], $0x1  }
0x21: {  	[sflag:s24] =	ssyncset.done $0x0  }
0x22: {  	s26 =	simm.s32 $0x1B8E;
	s25 =	sld [smem:$0x3FFE];
	[sflag:s24] =	ssyncadd.s32 $0xFFFFFFFF  }
0x23: {  	s27 =	simm.s32 $execute0_lowered;
	[smem:$0x3FD2] =	sst s26  }
0x24: {  	s5 =	sshll.u32 s27, $0x1;
	_ =	strace $0x80000049;
	[dreg:$0x1] =	wrdreg $0xFFFFFFFF  }
0x25: {  	s28 =	simm.s32 $_size_execute0_lowered;
	s3 =	sadd.s32 s3, s5;
	[dreg:$0x0] =	wrdreg $0x0  }
0x26: {  	s5 =	sshll.u32 s28, $0x1;
	[dreg:$0x2] =	wrdreg s3  }
0x27: {  	[dreg:$0x3] =	wrdreg s5  }
0x28: {  	[dreg:$0x4] =	wrdreg $0xC0  }
0x29: {  	_ =	task [dreg:s7], $0x5FFFF  }
0x2a: {  	[dreg:$0x1] =	wrdreg $0xFFFFFFFF  }
0x2b: {  	[dreg:$0x0] =	wrdreg $0x60  }
0x2c: {  	[dreg:$0x2] =	wrdreg s25  }
0x2d: {  	[dreg:$0x3] =	wrdreg s17  }
0x2e: {  	[dreg:$0x4] =	wrdreg $0x9  }
0x2f: {  	_ =	task.clear_ibuf [dreg:s7], $0x5FFFF;
	_ =	strace $0x90000049  }
0x30: {  	s29 =	simm.s32 $0x9;
	_ =	strace $0x8000004B  }
0x31: {  	_ =	swait.ge [sflag:s29], $0x1  }
0x32: {  	[sflag:s29] =	ssyncadd.s32 $0xFFFFFFFF  }
0x33: {  	_ =	strace $0x9000004B  }
0x34: {  	_ =	sfence  }
0x35: {  	s30 =	sld [smem:$0x0];
	_ =	sdelay $0x2  }
0x36: {  	s31 =	sshll.u32 s1, $0xD;
	s1 =	sshrl.u32 s1, $0x2  }
0x37: {  	s3 =	sand.u32 $0x4000, s31;
	s1 =	sadd.s32 s1, s30  }
0x38: {  	s0 =	sor.u32 s3, s0;
	s1 =	sshll.u32 s1, $0x11  }
0x39: {  	s0 =	sor.u32 s1, s0  }
0x3a: {  	s0 =	sadd.s32 $0x8F2B, s0  }
0x3b: {  	[sflag:s0] =	ssyncadd.remote.s32 $0x1  }
0x3c: {  	_ =	sfence.sel $0xFFFF  }
0x3d: {  	[dreg:$0x0] =	wrdreg $0xFFFFFFFF;
	(pc) =	sbr.abs _section_cstart, $3  }
0x3e: {  	[dreg:$0x1] =	wrdreg $0xFFFFFFFF  }
0x3f: {  	_ =	task.clear_ibuf [dreg:s7], $0x2FFFF;
	_ =	strace $0x9FFFFFFF  }
0x40: {  	(tm) =	ssettm $0x7FFFFFFF  }
0x41: {  	_ =	shalt  }
tec
execute0_lowered:
.L_overlay_start_1:
0x0: {  	(tag) =	ssettag $0x1  }
0x1: {  	s0 =	srdreg.scid  }
0x2: {  	s1 =	sshll.u32 s0, $0x4  }
0x3: {  	s0 =	stileid.u32;
	s1 =	sand.u32 $0x10, s1  }
0x4: {  	s1 =	sor.u32 s0, s1  }
0x5: {  	s6 =	rddreg [dreg:$0x0];
	s4 =	simm.s32 $0x1;
	s2 =	sshll.u32 s1, $0x7  }
0x6: {  	s7 =	simm.s32 $0x2;
	s12 =	simm.s32 $0x0;
	s1 =	ssub.s32 $0x1000, s2  }
0x7: {  	s8 =	simm.s32 $0x8000;
	s13 =	simm.s32 $0x0;
	s3 =	sand.u32 $0xF80, s1  }
0x8: {  	s9 =	simm.s32 $0x0;
	s5 =	sshrl.u32 s1, $0xC;
	p0 =	sne.s32 s3, $0x0  }
.Ltmp0:
0x9: {  	s1 =	rddreg [dreg:$0x2];
	s4 =	simm.s32 @!p0 $0x0;
	(pc) =	sbr.rel .LBB1_1-.Ltmp0, $4  }
0xa: {  	s11 =	simm.s32 $0x0;
	s3 =	rddreg [dreg:$0x1];
	s5 =	sadd.s32 s4, s5  }
0xb: {  	_ =	strace $0x8000004A;
	s4 =	simm.s32 $0x1;
	s5 =	smul.u32 $0xC8, s5  }
0xc: {  	s6 =	sadd.s32 $0xC00, s6;
	s10 =	smov.u32 s2;
	[sflag:s4] =	ssyncpa.u1 $0x0  }
0xd: {  	p0 =	por $0x0, $0x0;
	[sflag:s7] =	ssyncpa.u1 $0x0;
	s7 =	sor.u32 $0x1, s5  }
.LBB1_4:
0xe: {  	s16 =	sshll.u32 s13, $0x3;
	s17 =	sand.u32 $0x78, s13  }
0xf: {  	s30 =	sand.u32 $0x7E00, s13;
	s12 =	sshll.u32 s12, $0xF;
	s16 =	sand.u32 $0xC00, s16  }
0x10: {  	[tilespmem:s15+$0x810 ss:$0x81] =	vst.msk $0xffff, v2;
	s31 =	sand.u32 $0x7, s13;
	s16 =	sor.u32 s17, s16;
	s17 =	sadd.s32 s3, s30  }
0x11: {  	[tilespmem:s15+$0x1020 ss:$0x81] =	vst.msk $0xffff, v0;
	s13 =	sshll.u32 s31, $0x12;
	s12 =	sadd.s32 s12, s17;
	s16 =	sshrl.u32 s16, $0x3  }
0x12: {  	[tilespmem:s15+$0x0 ss:$0x81] =	vst.msk $0xffff, v1;
	s13 =	sor.u32 $0x400, s13;
	s12 =	sadd.s32 s16, s12  }
0x13: {  	[hbm4b:s12+s13] =	stream.strided.scatter [tilespmem:s14], [sflag:$0x2], $0x2000, s8, s13, $0x20;
	[tilespmem:$0x8080] =	vst v63  }
.LBB1_5:
0x14: {  	s14 =	sadd.s32 $0x1, s9  }
0x15: {  	s12 =	sadd.s32 $0x1000, s10;
	s16 =	smov.u32 s10;
	p2 =	sgt.s32 s14, $0xC7  }
0x16: {  	s16 =	smov.u32 @p2 s12  }
0x17: {  	s14 =	simm.s32 @p2 $0x0;
	p2 =	sgt.s32 s16, $0xFFF  }
0x18: {  	s16 =	smov.u32 @p2 s2;
	p2 =	sne.s32 s11, s7  }
.Ltmp1:
0x19: {  	p1 =	slt.u32 s11, $0x2;
	(pc) =	sbr.rel @!p2 .LBB1_6-.Ltmp1, $4  }
0x1a: {  	s15 =	simm.s32 @!p1 $0x2  }
0x1b: {  	s13 =	smov.u32 s10;
	p0 =	por !p0, !p0;
	_ =	swait.ge @!p1 [sflag:s15], $0x2000  }
0x1c: {  	s12 =	smov.u32 s9;
	[sflag:s15] =	ssyncset.done @!p1 $0x0;
	s9 =	smov.u32 s14  }
0x1d: {  	s11 =	sadd.s32 $0x1, s11;
	[sflag:s15] =	ssyncadd.s32 @!p1 $0xFFFFE000;
	s10 =	smov.u32 s16  }
.LBB1_1:
0x1e: {  	p1 =	sge.u32 s11, s5  }
0x1f: {  	s14 =	sand.u32 @!p1 $0x1FFFFFF, s9  }
0x20: {  	s15 =	smulhi.u32 @!p1 $0x147AE15, s14;
	_ =	sdelay $0x1  }
0x21: {  	s15 =	smul.u32 @!p1 $0xC8, s15  }
0x22: {  	s16 =	sxor.u32 @!p1 $0xFFFFFFFF, s11;
	s17 =	smul.u32 @!p1 $0xC80, s10  }
0x23: {  	s31 =	sadd.s32 $0xFFFFFFFF, s11;
	s16 =	sshll.u32 @!p1 s16, $0xD;
	s14 =	ssub.s32 @!p1 s14, s15  }
0x24: {  	s15 =	sand.u32 @!p1 $0x2000, s16;
	s16 =	sadd.s32 @!p1 s6, s17;
	s14 =	sshll.u32 @!p1 s14, $0x4  }
0x25: {  	s17 =	simm.s32 @!p1 $0x6400;
	s14 =	sadd.s32 @!p1 s14, s16;
	s16 =	simm.s32 @!p1 $0x40  }
0x26: {  	[tilespmem:s15], [sflag:$0x1] =	stream.strided.gather @!p1 [hbm4b:s14+s16], $0x2000, s17, s16, $0x38;
	[tilespmem:$0x8080] =	vst v63  }
0x27: {  	p1 =	sge.u32 s31, s5  }
.Ltmp2:
0x28: {  	_ = 	snop;
	(pc) =	sbr.rel @p1 .LBB1_5-.Ltmp2, $1  }
0x29: {  	_ =	sdelay $0x3  }
0x2a: {  	s14 =	simm.s32 $0x1  }
0x2b: {  	_ =	swait.ge [sflag:s4], $0x2000;
	s14 =	simm.s32 @!p0 $0x0  }
0x2c: {  	[sflag:s4] =	ssyncset.done $0x0;
	s15 =	sshll.u32 s14, $0xD  }
0x2d: {  	[sflag:s4] =	ssyncadd.s32 $0xFFFFE000;
	s18 =	sor.u32 $0x20, s15  }
0x2e: {  	s14 =	smul.u32 $0x8100, s14;
	v3 =	vld [tilespmem:s18+$0x10]  }
0x2f: {  	s30 =	sand.u32 $0x1, s11;
	v2 =	vld [tilespmem:s18+$0xFFFFFFF0]  }
0x30: {  	s15 =	smul.u32 $0x8100, s30;
	s14 =	sshrl.u32 s14, $0x2;
	v0 =	vld [tilespmem:s18+$0x0]  }
0x31: {  	v1 =	vld [tilespmem:s18+$0xFFFFFFE0];
	s16 =	sor.u32 $0x4000, s14  }
0x32: {  	s31 =	sshrl.u32 s15, $0x2;
	s15 =	sadd.s32 $0x0, s16  }
0x33: {  	s17 =	simm.s32 $0x4;
	s18 =	sadd.s32 $0x40, s18;
	s14 =	sor.u32 $0x4000, s31;
	[tilespmem:s15+$0x1830 ss:$0x81] =	vst.msk $0xffff, v3  }
.LBB1_3:
0x34: {  	v3 =	vld [tilespmem:s18+$0x10];
	p1 =	sne.s32 s17, $0x1FC;
	[tilespmem:s15+$0x810 ss:$0x81] =	vst.msk $0xffff, v2;
	s19 =	smov.u32 s17;
	s17 =	sadd.s32 $0x4, s17  }
.Ltmp3:
0x35: {  	v2 =	vld [tilespmem:s18+$0xFFFFFFF0];
	[tilespmem:s15+$0x1020 ss:$0x81] =	vst.msk $0xffff, v0;
	(pc) =	sbr.rel @p1 .LBB1_3-.Ltmp3, $4  }
0x36: {  	v0 =	vld [tilespmem:s18+$0x0];
	[tilespmem:s15+$0x0 ss:$0x81] =	vst.msk $0xffff, v1  }
0x37: {  	s15 =	sshra.s32 s19, $0x2;
	v1 =	vld [tilespmem:s18+$0xFFFFFFE0]  }
0x38: {  	s15 =	sadd.s32 s15, s16  }
0x39: {  	s18 =	sadd.s32 $0x40, s18;
	[tilespmem:s15+$0x1830 ss:$0x81] =	vst.msk $0xffff, v3  }
.Ltmp4:
0x3a: {  	_ = 	snop;
	(pc) =	sbr.rel .LBB1_4-.Ltmp4, $1  }
0x3b: {  	_ =	sdelay $0x3  }
.LBB1_6:
0x3c: {  	_ =	sfence.sel $0x180000  }
0x3d: {  	s2 =	simm.s32 $0x1;
	[bflag:$0x0] =	sbarrier.arrive $0xFFFF  }
0x3e: {  	s31 =	simm.s32 $0x2;
	[sflag:s2] =	ssyncpa.u1 $0x1  }
0x3f: {  	[sflag:s31] =	ssyncpa.u1 $0x1  }
0x40: {  	p0 =	sne.s32 s0, $0x0;
	_ =	strace $0x9000004A  }
0x41: {  	s0 =	sadd.s32 @!p0 $0x100000, s1;
	[bflag:$0x2] =	sbarrier.arrive $0xFFFF  }
0x42: {  	[sflag:s0] =	ssyncadd.tile.s32 @!p0 $0x1;
	_ =	shalt  }
.Lfunc_end1:
_tile_overlayer_lowered:
.L_overlay_start_2:
0x43: {  	(tag) =	ssettag $0x2  }
0x44: {  	s0 =	rddreg [dreg:$0x0];
	s2 =	stileid.u32  }
0x45: {  	s1 =	rddreg [dreg:$0x1];
	p0 =	sne.s32 s2, $0x0  }
0x46: {  	s3 =	rddreg [dreg:$0x2];
	[bflag:$0x3] =	sbarrier.arrive $0xFFFF;
	s2 =	simm.s32 @!p0 $0x1C01  }
0x47: {  	[timem:s3], [sflag:s2] =	dma.local @!p0 [hbm:s0], s1  }
0x48: {  	s0 =	simm.s32 @!p0 $0x1  }
0x49: {  	_ =	swait.ge @!p0 [sflag:s0], s1  }
0x4a: {  	s1 =	ssub.s32 @!p0 $0x0, s1;
	[sflag:s0] =	ssyncset.done @!p0 $0x0  }
0x4b: {  	[sflag:s0] =	ssyncadd.s32 @!p0 s1  }
0x4c: {  	[bflag:$0x3] =	sbarrier.arrive $0xFFFF  }
0x4d: {  	_ =	shalt  }

</sc_bundles>
